<compile_context>
chip_gen: v7x
topology: tpu7x:2x2x1
jax: 0.10.2.dev20260603
libtpu: 0.0.44.dev20260713+nightly
codegen_flags: <defaults>
</compile_context>

<pallas_src>
import functools

import jax
import jax.numpy as jnp
from jax import lax
from jax.experimental import pallas as pl
from jax.experimental.pallas import tpu as pltpu
from jax.experimental.pallas import tpu_sc as plsc

N = 10000
E = 320000
D = 128
G = 64
C = 10

NC = 2
NS = 16
NW = NC * NS
EPW = E // NW
CH = 128
EPWP = 10112
NCHUNK = EPWP // CH

NP = 10240
NPT = NP // NS
BLK = 512
NBLK = NP // BLK

_f32 = jnp.float32
_i32 = jnp.int32

_MESH = plsc.VectorSubcoreMesh(core_axis_name="c", subcore_axis_name="s")

_SC_PARAMS = pltpu.CompilerParams()
if "needs_layout_passes" in pltpu.CompilerParams.__dataclass_fields__:
  import dataclasses as _dataclasses
  _SC_PARAMS = _dataclasses.replace(_SC_PARAMS, needs_layout_passes=False)


H8 = NP * 8


@functools.partial(
    pl.kernel,
    out_type=jax.ShapeDtypeStruct((NW, H8), _f32),
    mesh=_MESH,
    scratch_types=[
        pltpu.VMEM((NCHUNK, CH), _i32),
        pltpu.VMEM((2, 16), _i32),
        pltpu.VMEM((H8,), _f32),
    ],
    compiler_params=_SC_PARAMS,
)
def _sc_degree(aux_hbm, dstr_hbm, out_hbm, dst_v, aux_v, hist_v):
  c = lax.axis_index("c")
  s = lax.axis_index("s")
  w = c * NS + s
  pltpu.sync_copy(dstr_hbm.at[w], dst_v)
  pltpu.sync_copy(aux_hbm, aux_v)

  zeros16 = jnp.zeros((16,), _f32)
  ones16 = jnp.full((16,), 1.0, _f32)

  @pl.loop(0, H8 // 16)
  def _(r):
    hist_v[pl.ds(r * 16, 16)] = zeros16

  lane = aux_v[0]
  offs = aux_v[1]
  mask_lo = lane < 8
  mask_hi = lane >= 8

  @pl.loop(0, NCHUNK)
  def _(j):
    @pl.loop(0, CH // 16)
    def _(l):
      d = dst_v[j, pl.ds(l * 16, 16)]
      addr = d * 8 + offs
      plsc.addupdate_scatter(hist_v, [addr], ones16, mask=mask_lo)
      plsc.addupdate_scatter(hist_v, [addr], ones16, mask=mask_hi)

  pltpu.sync_copy(hist_v, out_hbm.at[w])


@functools.partial(
    pl.kernel,
    out_type=jax.ShapeDtypeStruct((NC, NP, D), _f32),
    mesh=_MESH,
    scratch_types=[
        pltpu.VMEM((NCHUNK, CH), _i32),
        pltpu.VMEM((NCHUNK, CH), _i32),
        pltpu.VMEM((CH, D), _f32),
        pltpu.VMEM_SHARED((NP, D), _f32),
    ],
)
def _sc_aggregate(g_hbm, z_hbm, srcr_hbm, dstr_hbm, out_hbm, src_v, dst_v,
                  rows_v, acc):
  c = lax.axis_index("c")
  s = lax.axis_index("s")
  w = c * NS + s
  pltpu.sync_copy(srcr_hbm.at[w], src_v)
  pltpu.sync_copy(dstr_hbm.at[w], dst_v)

  @pl.when(s == 0)
  def _():
    pltpu.sync_copy(z_hbm, acc)

  plsc.subcore_barrier()

  @pl.loop(0, NCHUNK)
  def _(j):
    pltpu.sync_copy(g_hbm.at[src_v.at[j]], rows_v)
    pltpu.sync_copy(rows_v, acc.at[dst_v.at[j]], add=True)

  plsc.subcore_barrier()

  @pl.when(s == 0)
  def _():
    pltpu.sync_copy(acc, out_hbm.at[c])


def _gelu(z):
  return 0.5 * z * (1.0 + lax.erf(z * 0.7071067811865476))


def _tc_matmul_body(x_ref, w_ref, o_ref):
  o_ref[...] = jnp.dot(x_ref[...], w_ref[...], preferred_element_type=_f32)


def _tc_matmul(x, w):
  return pl.pallas_call(
      _tc_matmul_body,
      grid=(NBLK,),
      in_specs=[
          pl.BlockSpec((BLK, D), lambda i: (i, 0)),
          pl.BlockSpec((D, D), lambda i: (0, 0)),
      ],
      out_specs=pl.BlockSpec((BLK, D), lambda i: (i, 0)),
      out_shape=jax.ShapeDtypeStruct((NP, D), _f32),
  )(x, w)


def _tc_dinv_body(h_ref, r_ref, o_ref):
  hsum = jnp.sum(h_ref[...], axis=0)
  degp = jnp.dot(hsum, r_ref[...], preferred_element_type=_f32)
  o_ref[...] = lax.rsqrt(degp + 1.0)


def _tc_dinv(hr, rmat):
  return pl.pallas_call(
      _tc_dinv_body,
      grid=(H8 // 1024,),
      in_specs=[
          pl.BlockSpec((NW, 8, 128), lambda i: (0, i, 0)),
          pl.BlockSpec((128, 16), lambda i: (0, 0)),
      ],
      out_specs=pl.BlockSpec((8, 16), lambda i: (i, 0)),
      out_shape=jax.ShapeDtypeStruct((H8 // 128, 16), _f32),
  )(hr, rmat)


def _tc_scale_body(dinv_ref, h_ref, o_ref):
  o_ref[...] = dinv_ref[...] * h_ref[...]


def _tc_scale(dinv_col, h):
  return pl.pallas_call(
      _tc_scale_body,
      grid=(NBLK,),
      in_specs=[
          pl.BlockSpec((BLK, 1), lambda i: (i, 0)),
          pl.BlockSpec((BLK, D), lambda i: (i, 0)),
      ],
      out_specs=pl.BlockSpec((BLK, D), lambda i: (i, 0)),
      out_shape=jax.ShapeDtypeStruct((NP, D), _f32),
  )(dinv_col, h)


def _tc_mid_body(sa_ref, sb_ref, g_ref, dinv_ref, b_ref, w_ref, o_ref):
  dinv = dinv_ref[...]
  z = dinv * (sa_ref[...] + sb_ref[...] + g_ref[...]) + b_ref[...]
  a = _gelu(z)
  o_ref[...] = dinv * jnp.dot(a, w_ref[...], preferred_element_type=_f32)


def _tc_mid(sa, sb, g, dinv_col, b_row, w):
  return pl.pallas_call(
      _tc_mid_body,
      grid=(NBLK,),
      in_specs=[
          pl.BlockSpec((BLK, D), lambda i: (i, 0)),
          pl.BlockSpec((BLK, D), lambda i: (i, 0)),
          pl.BlockSpec((BLK, D), lambda i: (i, 0)),
          pl.BlockSpec((BLK, 1), lambda i: (i, 0)),
          pl.BlockSpec((1, D), lambda i: (0, 0)),
          pl.BlockSpec((D, D), lambda i: (0, 0)),
      ],
      out_specs=pl.BlockSpec((BLK, D), lambda i: (i, 0)),
      out_shape=jax.ShapeDtypeStruct((NP, D), _f32),
  )(sa, sb, g, dinv_col, b_row, w)


def _tc_final_body(sa_ref, sb_ref, g_ref, dinv_ref, b_ref, batch_ref,
                   wfc_ref, bfc_ref, o_ref, sums_acc, cnt_acc):
  i = pl.program_id(0)

  @pl.when(i == 0)
  def _():
    sums_acc[...] = jnp.zeros_like(sums_acc)
    cnt_acc[...] = jnp.zeros_like(cnt_acc)

  dinv = dinv_ref[...]
  z = dinv * (sa_ref[...] + sb_ref[...] + g_ref[...]) + b_ref[...]
  a = _gelu(z)

  bl = batch_ref[...].reshape(1, BLK)
  gids = lax.broadcasted_iota(_i32, (G, 1), 0)
  m = (bl == gids).astype(_f32)
  sums_acc[...] += jnp.dot(m, a, preferred_element_type=_f32)
  cnt_acc[...] += jnp.sum(m, axis=1, keepdims=True)

  @pl.when(i == NBLK - 1)
  def _():
    sums = sums_acc[...]
    cnt = jnp.maximum(cnt_acc[...], 1.0)
    o_ref[...] = (jnp.dot(sums, wfc_ref[...], preferred_element_type=_f32)
                  / cnt + bfc_ref[...])


def _tc_final(sa, sb, g, dinv_col, b_row, batch3d, wfc, bfc_row):
  return pl.pallas_call(
      _tc_final_body,
      grid=(NBLK,),
      in_specs=[
          pl.BlockSpec((BLK, D), lambda i: (i, 0)),
          pl.BlockSpec((BLK, D), lambda i: (i, 0)),
          pl.BlockSpec((BLK, D), lambda i: (i, 0)),
          pl.BlockSpec((BLK, 1), lambda i: (i, 0)),
          pl.BlockSpec((1, D), lambda i: (0, 0)),
          pl.BlockSpec((1, 1, BLK), lambda i: (i, 0, 0)),
          pl.BlockSpec((D, C), lambda i: (0, 0)),
          pl.BlockSpec((1, C), lambda i: (0, 0)),
      ],
      out_specs=pl.BlockSpec((G, C), lambda i: (0, 0)),
      out_shape=jax.ShapeDtypeStruct((G, C), _f32),
      scratch_shapes=[
          pltpu.VMEM((G, D), _f32),
          pltpu.VMEM((G, 1), _f32),
      ],
  )(sa, sb, g, dinv_col, b_row, batch3d, wfc, bfc_row)


def kernel(x, edge_index, batch, W1, b1, W2, b2, Wfc, bfc):
  xp = jnp.pad(x.astype(_f32), ((0, NP - N), (0, 0)))
  srcp = jnp.pad(edge_index[0].reshape(NW, EPW),
                 ((0, 0), (0, EPWP - EPW))).reshape(NW, NCHUNK, CH)
  dummy_dst = (N + jnp.arange(EPWP - EPW, dtype=_i32) % (NP - N))
  dstp = jnp.concatenate(
      [edge_index[1].reshape(NW, EPW),
       jnp.broadcast_to(dummy_dst, (NW, EPWP - EPW))],
      axis=1).reshape(NW, NCHUNK, CH)
  batch3d = jnp.pad(batch.astype(_i32), (0, NP - N),
                    constant_values=G).reshape(NBLK, 1, BLK)

  lane = jnp.arange(16, dtype=_i32)
  aux = jnp.stack([lane, lane % 8])
  zD = jnp.zeros((NP, D), _f32)
  hist = _sc_degree(aux, dstp)
  h1 = _tc_matmul(xp, W1.astype(_f32))

  hr = hist.reshape(NW, H8 // 128, 128)
  rmat = (jnp.arange(128, dtype=_i32)[:, None] // 8
          == jnp.arange(16, dtype=_i32)[None, :]).astype(_f32)
  dinv2d = _tc_dinv(hr, rmat)
  dinv_col = dinv2d.reshape(NP, 1)

  g1 = _tc_scale(dinv_col, h1)
  s1 = _sc_aggregate(g1, zD, srcp, dstp)
  g2 = _tc_mid(s1[0], s1[1], g1, dinv_col, b1.reshape(1, D), W2.astype(_f32))
  s2 = _sc_aggregate(g2, zD, srcp, dstp)
  logits = _tc_final(s2[0], s2[1], g2, dinv_col, b2.reshape(1, D),
                     batch3d, Wfc.astype(_f32), bfc.reshape(1, C))
  return logits

# --- scband reference (transcript-rebuilt; emitter-appended) ---
"""Pipeline reference for scband-gcn-49417893708134 (READ-ONLY COPY).

The authoritative reference and input builder live on the scoring server;
editing this copy changes nothing except your own understanding.
"""

import jax, jax.numpy as jnp
import numpy as np

N_NODES = 10000
N_EDGES = 320000
D_IN = 128
D_HID = 128
D_OUT = 128
NUM_CLASSES = 10
NUM_GRAPHS = 64


def setup_inputs(seed: int = 0) -> dict:
    key = jax.random.key(seed)
    ks = jax.random.split(key, 10)
    x = jax.random.normal(ks[0], (N_NODES, D_IN), dtype=jnp.float32)
    edge_index = jax.random.randint(ks[1], (2, N_EDGES), 0, N_NODES, dtype=jnp.int32)
    batch = jnp.sort(jax.random.randint(ks[2], (N_NODES,), 0, NUM_GRAPHS, dtype=jnp.int32))
    W1 = jax.random.normal(ks[3], (D_IN, D_HID), dtype=jnp.float32) / np.sqrt(D_IN)
    b1 = jnp.zeros((D_HID,), dtype=jnp.float32)
    W2 = jax.random.normal(ks[4], (D_HID, D_OUT), dtype=jnp.float32) / np.sqrt(D_HID)
    b2 = jnp.zeros((D_OUT,), dtype=jnp.float32)
    Wfc = jax.random.normal(ks[5], (D_OUT, NUM_CLASSES), dtype=jnp.float32) / np.sqrt(D_OUT)
    bfc = jnp.zeros((NUM_CLASSES,), dtype=jnp.float32)
    return {"x": x, "edge_index": edge_index, "batch": batch,
            "W1": W1, "b1": b1, "W2": W2, "b2": b2, "Wfc": Wfc, "bfc": bfc}


def _gcn_conv(x, edge_index, W, b):
    # PyG GCNConv: add self-loops, symmetric normalization, linear transform, scatter-add
    N = x.shape[0]
    loops = jnp.arange(N, dtype=edge_index.dtype)
    src = jnp.concatenate([edge_index[0], loops])
    dst = jnp.concatenate([edge_index[1], loops])
    deg = jax.ops.segment_sum(jnp.ones_like(src, dtype=x.dtype), dst, num_segments=N)
    deg_inv_sqrt = jnp.where(deg > 0, 1.0 / jnp.sqrt(deg), 0.0)
    norm = deg_inv_sqrt[src] * deg_inv_sqrt[dst]
    h = x @ W
    msg = h[src] * norm[:, None]
    out = jax.ops.segment_sum(msg, dst, num_segments=N) + b
    return out


def _global_mean_pool(x, batch, num_graphs):
    sums = jax.ops.segment_sum(x, batch, num_segments=num_graphs)
    counts = jax.ops.segment_sum(jnp.ones((x.shape[0],), dtype=x.dtype), batch, num_segments=num_graphs)
    return sums / jnp.maximum(counts, 1.0)[:, None]


def reference(x, edge_index, batch, W1, b1, W2, b2, Wfc, bfc):
    h = _gcn_conv(x, edge_index, W1, b1)
    h = jax.nn.gelu(h, approximate=False)
    # dropout p=0.0 -> identity
    h = _gcn_conv(h, edge_index, W2, b2)
    h = jax.nn.gelu(h, approximate=False)
    pooled = _global_mean_pool(h, batch, NUM_GRAPHS)
    logits = pooled @ Wfc + bfc
    return logits

if __name__ == "__main__":
    import jax
    _d = setup_inputs()
    print(jax.jit(kernel)(*tuple(_d.values())))

</pallas_src>

<mosaic_0001>
#map = affine_map<(d0, d1) -> (0, 0)>
#map1 = affine_map<(d0, d1) -> (0, 0, 0)>
module attributes {stable_mosaic.version = 14 : i64} {
  func.func @_sc_degree(%arg0: i32, %arg1: i32, %arg2: memref<2x16xi32, #tpu.memory_space<hbm>>, %arg3: memref<32x79x128xi32, #tpu.memory_space<hbm>>, %arg4: memref<32x81920xf32, #tpu.memory_space<hbm>>, %arg5: memref<79x128xi32, #tpu.memory_space<vmem>>, %arg6: memref<2x16xi32, #tpu.memory_space<vmem>>, %arg7: memref<81920xf32, #tpu.memory_space<vmem>>) attributes {dimension_semantics = [#tpu.dimension_semantics<core_parallel>, #tpu.dimension_semantics<subcore_parallel>], iteration_bounds = array<i64: 2, 16>, scalar_prefetch = 0 : i64, scratch_operands = 3 : i64, tpu.core_type = #tpu.core_type<sc_vector_subcore>, window_params = [{transform_indices = #map}, {transform_indices = #map1}, {transform_indices = #map}]} {
    %mul3A = arith.constant 16 : i32
    %mul3A_0 = arith.muli %arg0, %mul3A : i32
    %add3A = arith.addi %mul3A_0, %arg1 : i32
    "tpu.region"() ({
      %run_scoped3A = tpu.sem_alloc : memref<!tpu.dma_semaphore, #tpu.memory_space<semaphore_mem>>
      %dma_start3A = arith.constant 0 : i32
      %dma_start3A_24 = arith.constant 0 : i32
      %dma_start3A_25 = tpu.memref_slice %arg3[%add3A, %dma_start3A, %dma_start3A_24] : memref<32x79x128xi32, #tpu.memory_space<hbm>> -> memref<1x79x128xi32, #tpu.memory_space<hbm>>
      %dma_start3A_26 = tpu.memref_squeeze %dma_start3A_25 : memref<1x79x128xi32, #tpu.memory_space<hbm>> -> memref<79x128xi32, #tpu.memory_space<hbm>>
      %dma_start3A_27 = arith.constant 0 : i32
      %dma_start3A_28 = arith.constant 0 : i32
      %dma_start3A_29 = tpu.memref_slice %arg3[%add3A, %dma_start3A_27, %dma_start3A_28] : memref<32x79x128xi32, #tpu.memory_space<hbm>> -> memref<1x79x128xi32, #tpu.memory_space<hbm>>
      %dma_start3A_30 = tpu.memref_squeeze %dma_start3A_29 : memref<1x79x128xi32, #tpu.memory_space<hbm>> -> memref<79x128xi32, #tpu.memory_space<hbm>>
      tpu.enqueue_dma source(%dma_start3A_30 : memref<79x128xi32, #tpu.memory_space<hbm>>) target(%arg5 : memref<79x128xi32, #tpu.memory_space<vmem>>) target_semaphore(%run_scoped3A : memref<!tpu.dma_semaphore, #tpu.memory_space<semaphore_mem>>)
      %dma_wait3A = arith.constant 0 : i32
      %dma_wait3A_31 = arith.constant 0 : i32
      %dma_wait3A_32 = tpu.memref_slice %arg3[%add3A, %dma_wait3A, %dma_wait3A_31] : memref<32x79x128xi32, #tpu.memory_space<hbm>> -> memref<1x79x128xi32, #tpu.memory_space<hbm>>
      %dma_wait3A_33 = tpu.memref_squeeze %dma_wait3A_32 : memref<1x79x128xi32, #tpu.memory_space<hbm>> -> memref<79x128xi32, #tpu.memory_space<hbm>>
      %dma_wait3A_34 = arith.constant 0 : i32
      %dma_wait3A_35 = arith.constant 0 : i32
      %dma_wait3A_36 = tpu.memref_slice %arg3[%add3A, %dma_wait3A_34, %dma_wait3A_35] : memref<32x79x128xi32, #tpu.memory_space<hbm>> -> memref<1x79x128xi32, #tpu.memory_space<hbm>>
      %dma_wait3A_37 = tpu.memref_squeeze %dma_wait3A_36 : memref<1x79x128xi32, #tpu.memory_space<hbm>> -> memref<79x128xi32, #tpu.memory_space<hbm>>
      tpu.wait_dma2 semaphore(%run_scoped3A : memref<!tpu.dma_semaphore, #tpu.memory_space<semaphore_mem>>) src(%dma_wait3A_37 : memref<79x128xi32, #tpu.memory_space<hbm>>) dst(%arg5 : memref<79x128xi32, #tpu.memory_space<vmem>>)
      tpu.yield
    }) : () -> ()
    "tpu.region"() ({
      %run_scoped3A = tpu.sem_alloc : memref<!tpu.dma_semaphore, #tpu.memory_space<semaphore_mem>>
      tpu.enqueue_dma source(%arg2 : memref<2x16xi32, #tpu.memory_space<hbm>>) target(%arg6 : memref<2x16xi32, #tpu.memory_space<vmem>>) target_semaphore(%run_scoped3A : memref<!tpu.dma_semaphore, #tpu.memory_space<semaphore_mem>>)
      tpu.wait_dma2 semaphore(%run_scoped3A : memref<!tpu.dma_semaphore, #tpu.memory_space<semaphore_mem>>) src(%arg2 : memref<2x16xi32, #tpu.memory_space<hbm>>) dst(%arg6 : memref<2x16xi32, #tpu.memory_space<vmem>>)
      tpu.yield
    }) : () -> ()
    %broadcast_in_dim3A = arith.constant 0.000000e+00 : f32
    %broadcast_in_dim3A_1 = vector.broadcast %broadcast_in_dim3A : f32 to vector<16xf32>
    %broadcast_in_dim3A_2 = arith.constant 1.000000e+00 : f32
    %broadcast_in_dim3A_3 = vector.broadcast %broadcast_in_dim3A_2 : f32 to vector<16xf32>
    %scan3A = arith.constant 0 : i32
    %scan3A_4 = arith.constant 5120 : i32
    %scan3A_5 = arith.addi %scan3A, %scan3A_4 : i32
    %scan3A_6 = arith.constant 1 : i32
    scf.for %scan3A_24 = %scan3A to %scan3A_5 step %scan3A_6  : i32 {
      %mul3A_25 = arith.constant 1 : i32
      %mul3A_26 = arith.muli %scan3A_24, %mul3A_25 : i32
      %add3A_27 = arith.constant 0 : i32
      %add3A_28 = arith.addi %add3A_27, %mul3A_26 : i32
      %mul3A_29 = arith.constant 16 : i32
      %mul3A_30 = arith.muli %add3A_28, %mul3A_29 : i32
      %swap3A = arith.index_cast %mul3A_30 : i32 to index
      %swap3A_31 = tpu.vector_load %arg7[%swap3A] {strides = array<i32>} : memref<81920xf32, #tpu.memory_space<vmem>>, vector<16xf32>,
      tpu.vector_store %arg7[%swap3A], %broadcast_in_dim3A_1 {strides = array<i32>} : memref<81920xf32, #tpu.memory_space<vmem>>, vector<16xf32>,
    }
    %scan3A_7 = arith.constant 5120 : i32
    %get3A = arith.constant 0 : i32
    %get3A_8 = arith.index_cast %get3A : i32 to index
    %get3A_9 = arith.constant 0 : index
    %get3A_10 = tpu.vector_load %arg6[%get3A_8, %get3A_9] {strides = array<i32>} : memref<2x16xi32, #tpu.memory_space<vmem>>, vector<16xi32>,
    %get3A_11 = arith.constant 1 : i32
    %get3A_12 = arith.index_cast %get3A_11 : i32 to index
    %get3A_13 = arith.constant 0 : index
    %get3A_14 = tpu.vector_load %arg6[%get3A_12, %get3A_13] {strides = array<i32>} : memref<2x16xi32, #tpu.memory_space<vmem>>, vector<16xi32>,
    %lt3A = arith.constant 8 : i32
    %lt3A_15 = vector.broadcast %lt3A : i32 to vector<16xi32>
    %lt3A_16 = arith.cmpi slt, %get3A_10, %lt3A_15 : vector<16xi32>
    %ge3A = arith.constant 8 : i32
    %ge3A_17 = vector.broadcast %ge3A : i32 to vector<16xi32>
    %ge3A_18 = arith.cmpi sge, %get3A_10, %ge3A_17 : vector<16xi32>
    %scan3A_19 = arith.constant 0 : i32
    %scan3A_20 = arith.constant 79 : i32
    %scan3A_21 = arith.addi %scan3A_19, %scan3A_20 : i32
    %scan3A_22 = arith.constant 1 : i32
    scf.for %scan3A_24 = %scan3A_19 to %scan3A_21 step %scan3A_22  : i32 {
      %mul3A_25 = arith.constant 1 : i32
      %mul3A_26 = arith.muli %scan3A_24, %mul3A_25 : i32
      %add3A_27 = arith.constant 0 : i32
      %add3A_28 = arith.addi %add3A_27, %mul3A_26 : i32
      %scan3A_29 = arith.constant 0 : i32
      %scan3A_30 = arith.constant 8 : i32
      %scan3A_31 = arith.addi %scan3A_29, %scan3A_30 : i32
      %scan3A_32 = arith.constant 1 : i32
      scf.for %scan3A_34 = %scan3A_29 to %scan3A_31 step %scan3A_32  : i32 {
        %mul3A_35 = arith.constant 1 : i32
        %mul3A_36 = arith.muli %scan3A_34, %mul3A_35 : i32
        %add3A_37 = arith.constant 0 : i32
        %add3A_38 = arith.addi %add3A_37, %mul3A_36 : i32
        %mul3A_39 = arith.constant 16 : i32
        %mul3A_40 = arith.muli %add3A_38, %mul3A_39 : i32
        %get3A_41 = arith.index_cast %add3A_28 : i32 to index
        %get3A_42 = arith.index_cast %mul3A_40 : i32 to index
        %get3A_43 = tpu.vector_load %arg5[%get3A_41, %get3A_42] {strides = array<i32>} : memref<79x128xi32, #tpu.memory_space<vmem>>, vector<16xi32>,
        %mul3A_44 = arith.constant 8 : i32
        %mul3A_45 = vector.broadcast %mul3A_44 : i32 to vector<16xi32>
        %mul3A_46 = arith.muli %get3A_43, %mul3A_45 : vector<16xi32>
        %add3A_47 = arith.addi %mul3A_46, %get3A_14 : vector<16xi32>
        tpu.vector_store_idx %arg7[%add3A_47], %broadcast_in_dim3A_3 masked %lt3A_16 {add = true} : memref<81920xf32, #tpu.memory_space<vmem>>[vector<16xi32>], vector<16xf32>, vector<16xi1>
        tpu.vector_store_idx %arg7[%add3A_47], %broadcast_in_dim3A_3 masked %ge3A_18 {add = true} : memref<81920xf32, #tpu.memory_space<vmem>>[vector<16xi32>], vector<16xf32>, vector<16xi1>
      }
      %scan3A_33 = arith.constant 8 : i32
    }
    %scan3A_23 = arith.constant 79 : i32
    "tpu.region"() ({
      %run_scoped3A = tpu.sem_alloc : memref<!tpu.dma_semaphore, #tpu.memory_space<semaphore_mem>>
      %dma_start3A = arith.constant 0 : i32
      %dma_start3A_24 = tpu.memref_slice %arg4[%add3A, %dma_start3A] : memref<32x81920xf32, #tpu.memory_space<hbm>> -> memref<1x81920xf32, #tpu.memory_space<hbm>>
      %dma_start3A_25 = tpu.memref_squeeze %dma_start3A_24 : memref<1x81920xf32, #tpu.memory_space<hbm>> -> memref<81920xf32, #tpu.memory_space<hbm>>
      %dma_start3A_26 = arith.constant 0 : i32
      %dma_start3A_27 = tpu.memref_slice %arg4[%add3A, %dma_start3A_26] : memref<32x81920xf32, #tpu.memory_space<hbm>> -> memref<1x81920xf32, #tpu.memory_space<hbm>>
      %dma_start3A_28 = tpu.memref_squeeze %dma_start3A_27 : memref<1x81920xf32, #tpu.memory_space<hbm>> -> memref<81920xf32, #tpu.memory_space<hbm>>
      tpu.enqueue_dma source(%arg7 : memref<81920xf32, #tpu.memory_space<vmem>>) target(%dma_start3A_28 : memref<81920xf32, #tpu.memory_space<hbm>>) target_semaphore(%run_scoped3A : memref<!tpu.dma_semaphore, #tpu.memory_space<semaphore_mem>>)
      %dma_wait3A = arith.constant 0 : i32
      %dma_wait3A_29 = tpu.memref_slice %arg4[%add3A, %dma_wait3A] : memref<32x81920xf32, #tpu.memory_space<hbm>> -> memref<1x81920xf32, #tpu.memory_space<hbm>>
      %dma_wait3A_30 = tpu.memref_squeeze %dma_wait3A_29 : memref<1x81920xf32, #tpu.memory_space<hbm>> -> memref<81920xf32, #tpu.memory_space<hbm>>
      %dma_wait3A_31 = arith.constant 0 : i32
      %dma_wait3A_32 = tpu.memref_slice %arg4[%add3A, %dma_wait3A_31] : memref<32x81920xf32, #tpu.memory_space<hbm>> -> memref<1x81920xf32, #tpu.memory_space<hbm>>
      %dma_wait3A_33 = tpu.memref_squeeze %dma_wait3A_32 : memref<1x81920xf32, #tpu.memory_space<hbm>> -> memref<81920xf32, #tpu.memory_space<hbm>>
      tpu.wait_dma2 semaphore(%run_scoped3A : memref<!tpu.dma_semaphore, #tpu.memory_space<semaphore_mem>>) src(%arg7 : memref<81920xf32, #tpu.memory_space<vmem>>) dst(%dma_wait3A_33 : memref<81920xf32, #tpu.memory_space<hbm>>)
      tpu.yield
    }) : () -> ()
    return
  }
}

#map = affine_map<(d0, d1) -> (0, 0)>
#map1 = affine_map<(d0, d1) -> (0, 0, 0)>
module attributes {stable_mosaic.version = 14 : i64} {
  func.func @_sc_aggregate(%arg0: i32, %arg1: i32, %arg2: memref<10240x128xf32, #tpu.memory_space<hbm>>, %arg3: memref<10240x128xf32, #tpu.memory_space<hbm>>, %arg4: memref<32x79x128xi32, #tpu.memory_space<hbm>>, %arg5: memref<32x79x128xi32, #tpu.memory_space<hbm>>, %arg6: memref<2x10240x128xf32, #tpu.memory_space<hbm>>, %arg7: memref<79x128xi32, #tpu.memory_space<vmem>>, %arg8: memref<79x128xi32, #tpu.memory_space<vmem>>, %arg9: memref<128x128xf32, #tpu.memory_space<vmem>>, %arg10: memref<10240x128xf32, #tpu.memory_space<vmem_shared>>) attributes {dimension_semantics = [#tpu.dimension_semantics<core_parallel>, #tpu.dimension_semantics<subcore_parallel>], iteration_bounds = array<i64: 2, 16>, scalar_prefetch = 0 : i64, scratch_operands = 4 : i64, tpu.core_type = #tpu.core_type<sc_vector_subcore>, window_params = [{transform_indices = #map}, {transform_indices = #map}, {transform_indices = #map1}, {transform_indices = #map1}, {transform_indices = #map1}]} {
    %mul3A = arith.constant 16 : i32
    %mul3A_0 = arith.muli %arg0, %mul3A : i32
    %add3A = arith.addi %mul3A_0, %arg1 : i32
    "tpu.region"() ({
      %run_scoped3A = tpu.sem_alloc : memref<!tpu.dma_semaphore, #tpu.memory_space<semaphore_mem>>
      %dma_start3A = arith.constant 0 : i32
      %dma_start3A_13 = arith.constant 0 : i32
      %dma_start3A_14 = tpu.memref_slice %arg4[%add3A, %dma_start3A, %dma_start3A_13] : memref<32x79x128xi32, #tpu.memory_space<hbm>> -> memref<1x79x128xi32, #tpu.memory_space<hbm>>
      %dma_start3A_15 = tpu.memref_squeeze %dma_start3A_14 : memref<1x79x128xi32, #tpu.memory_space<hbm>> -> memref<79x128xi32, #tpu.memory_space<hbm>>
      %dma_start3A_16 = arith.constant 0 : i32
      %dma_start3A_17 = arith.constant 0 : i32
      %dma_start3A_18 = tpu.memref_slice %arg4[%add3A, %dma_start3A_16, %dma_start3A_17] : memref<32x79x128xi32, #tpu.memory_space<hbm>> -> memref<1x79x128xi32, #tpu.memory_space<hbm>>
      %dma_start3A_19 = tpu.memref_squeeze %dma_start3A_18 : memref<1x79x128xi32, #tpu.memory_space<hbm>> -> memref<79x128xi32, #tpu.memory_space<hbm>>
      tpu.enqueue_dma source(%dma_start3A_19 : memref<79x128xi32, #tpu.memory_space<hbm>>) target(%arg7 : memref<79x128xi32, #tpu.memory_space<vmem>>) target_semaphore(%run_scoped3A : memref<!tpu.dma_semaphore, #tpu.memory_space<semaphore_mem>>)
      %dma_wait3A = arith.constant 0 : i32
      %dma_wait3A_20 = arith.constant 0 : i32
      %dma_wait3A_21 = tpu.memref_slice %arg4[%add3A, %dma_wait3A, %dma_wait3A_20] : memref<32x79x128xi32, #tpu.memory_space<hbm>> -> memref<1x79x128xi32, #tpu.memory_space<hbm>>
      %dma_wait3A_22 = tpu.memref_squeeze %dma_wait3A_21 : memref<1x79x128xi32, #tpu.memory_space<hbm>> -> memref<79x128xi32, #tpu.memory_space<hbm>>
      %dma_wait3A_23 = arith.constant 0 : i32
      %dma_wait3A_24 = arith.constant 0 : i32
      %dma_wait3A_25 = tpu.memref_slice %arg4[%add3A, %dma_wait3A_23, %dma_wait3A_24] : memref<32x79x128xi32, #tpu.memory_space<hbm>> -> memref<1x79x128xi32, #tpu.memory_space<hbm>>
      %dma_wait3A_26 = tpu.memref_squeeze %dma_wait3A_25 : memref<1x79x128xi32, #tpu.memory_space<hbm>> -> memref<79x128xi32, #tpu.memory_space<hbm>>
      tpu.wait_dma2 semaphore(%run_scoped3A : memref<!tpu.dma_semaphore, #tpu.memory_space<semaphore_mem>>) src(%dma_wait3A_26 : memref<79x128xi32, #tpu.memory_space<hbm>>) dst(%arg7 : memref<79x128xi32, #tpu.memory_space<vmem>>)
      tpu.yield
    }) : () -> ()
    "tpu.region"() ({
      %run_scoped3A = tpu.sem_alloc : memref<!tpu.dma_semaphore, #tpu.memory_space<semaphore_mem>>
      %dma_start3A = arith.constant 0 : i32
      %dma_start3A_13 = arith.constant 0 : i32
      %dma_start3A_14 = tpu.memref_slice %arg5[%add3A, %dma_start3A, %dma_start3A_13] : memref<32x79x128xi32, #tpu.memory_space<hbm>> -> memref<1x79x128xi32, #tpu.memory_space<hbm>>
      %dma_start3A_15 = tpu.memref_squeeze %dma_start3A_14 : memref<1x79x128xi32, #tpu.memory_space<hbm>> -> memref<79x128xi32, #tpu.memory_space<hbm>>
      %dma_start3A_16 = arith.constant 0 : i32
      %dma_start3A_17 = arith.constant 0 : i32
      %dma_start3A_18 = tpu.memref_slice %arg5[%add3A, %dma_start3A_16, %dma_start3A_17] : memref<32x79x128xi32, #tpu.memory_space<hbm>> -> memref<1x79x128xi32, #tpu.memory_space<hbm>>
      %dma_start3A_19 = tpu.memref_squeeze %dma_start3A_18 : memref<1x79x128xi32, #tpu.memory_space<hbm>> -> memref<79x128xi32, #tpu.memory_space<hbm>>
      tpu.enqueue_dma source(%dma_start3A_19 : memref<79x128xi32, #tpu.memory_space<hbm>>) target(%arg8 : memref<79x128xi32, #tpu.memory_space<vmem>>) target_semaphore(%run_scoped3A : memref<!tpu.dma_semaphore, #tpu.memory_space<semaphore_mem>>)
      %dma_wait3A = arith.constant 0 : i32
      %dma_wait3A_20 = arith.constant 0 : i32
      %dma_wait3A_21 = tpu.memref_slice %arg5[%add3A, %dma_wait3A, %dma_wait3A_20] : memref<32x79x128xi32, #tpu.memory_space<hbm>> -> memref<1x79x128xi32, #tpu.memory_space<hbm>>
      %dma_wait3A_22 = tpu.memref_squeeze %dma_wait3A_21 : memref<1x79x128xi32, #tpu.memory_space<hbm>> -> memref<79x128xi32, #tpu.memory_space<hbm>>
      %dma_wait3A_23 = arith.constant 0 : i32
      %dma_wait3A_24 = arith.constant 0 : i32
      %dma_wait3A_25 = tpu.memref_slice %arg5[%add3A, %dma_wait3A_23, %dma_wait3A_24] : memref<32x79x128xi32, #tpu.memory_space<hbm>> -> memref<1x79x128xi32, #tpu.memory_space<hbm>>
      %dma_wait3A_26 = tpu.memref_squeeze %dma_wait3A_25 : memref<1x79x128xi32, #tpu.memory_space<hbm>> -> memref<79x128xi32, #tpu.memory_space<hbm>>
      tpu.wait_dma2 semaphore(%run_scoped3A : memref<!tpu.dma_semaphore, #tpu.memory_space<semaphore_mem>>) src(%dma_wait3A_26 : memref<79x128xi32, #tpu.memory_space<hbm>>) dst(%arg8 : memref<79x128xi32, #tpu.memory_space<vmem>>)
      tpu.yield
    }) : () -> ()
    %eq3A = arith.constant 0 : i32
    %eq3A_1 = arith.cmpi eq, %arg1, %eq3A : i32
    %convert_element_type3A = arith.extui %eq3A_1 : i1 to i32
    %cond3A = arith.constant 0 : i32
    %cond3A_2 = arith.cmpi ne, %convert_element_type3A, %cond3A : i32
    scf.if %cond3A_2 {
      "tpu.region"() ({
        %run_scoped3A = tpu.sem_alloc : memref<!tpu.dma_semaphore, #tpu.memory_space<semaphore_mem>>
        tpu.enqueue_dma source(%arg3 : memref<10240x128xf32, #tpu.memory_space<hbm>>) target(%arg10 : memref<10240x128xf32, #tpu.memory_space<vmem_shared>>) target_semaphore(%run_scoped3A : memref<!tpu.dma_semaphore, #tpu.memory_space<semaphore_mem>>)
        tpu.wait_dma2 semaphore(%run_scoped3A : memref<!tpu.dma_semaphore, #tpu.memory_space<semaphore_mem>>) src(%arg3 : memref<10240x128xf32, #tpu.memory_space<hbm>>) dst(%arg10 : memref<10240x128xf32, #tpu.memory_space<vmem_shared>>)
        tpu.yield
      }) : () -> ()
    } else {
    }
    %barrier3A = arith.constant 0 : index
    tpu.barrier barrier_id(%barrier3A)
    %scan3A = arith.constant 0 : i32
    %scan3A_3 = arith.constant 79 : i32
    %scan3A_4 = arith.addi %scan3A, %scan3A_3 : i32
    %scan3A_5 = arith.constant 1 : i32
    scf.for %scan3A_13 = %scan3A to %scan3A_4 step %scan3A_5  : i32 {
      %mul3A_14 = arith.constant 1 : i32
      %mul3A_15 = arith.muli %scan3A_13, %mul3A_14 : i32
      %add3A_16 = arith.constant 0 : i32
      %add3A_17 = arith.addi %add3A_16, %mul3A_15 : i32
      "tpu.region"() ({
        %run_scoped3A = tpu.sem_alloc : memref<!tpu.dma_semaphore, #tpu.memory_space<semaphore_mem>>
        %dma_start3A = arith.constant 0 : i32
        %dma_start3A_18 = tpu.memref_slice %arg7[%add3A_17, %dma_start3A] : memref<79x128xi32, #tpu.memory_space<vmem>> -> memref<1x128xi32, #tpu.memory_space<vmem>>
        %dma_start3A_19 = tpu.memref_squeeze %dma_start3A_18 : memref<1x128xi32, #tpu.memory_space<vmem>> -> memref<128xi32, #tpu.memory_space<vmem>>
        %dma_start3A_20 = arith.constant 0 : i32
        %dma_start3A_21 = arith.constant 0 : i32
        %dma_start3A_22 = tpu.memref_slice %arg2[%dma_start3A_20, %dma_start3A_21] : memref<10240x128xf32, #tpu.memory_space<hbm>> -> memref<10240x128xf32, #tpu.memory_space<hbm>>
        tpu.enqueue_indirect_dma source(%dma_start3A_22 : memref<10240x128xf32, #tpu.memory_space<hbm>>) target(%arg9 : memref<128x128xf32, #tpu.memory_space<vmem>>) offsets(%dma_start3A_19 : memref<128xi32, #tpu.memory_space<vmem>>) semaphore(%run_scoped3A : memref<!tpu.dma_semaphore, #tpu.memory_space<semaphore_mem>>)
        %dma_wait3A = arith.constant 0 : i32
        %dma_wait3A_23 = tpu.memref_slice %arg7[%add3A_17, %dma_wait3A] : memref<79x128xi32, #tpu.memory_space<vmem>> -> memref<1x128xi32, #tpu.memory_space<vmem>>
        %dma_wait3A_24 = tpu.memref_squeeze %dma_wait3A_23 : memref<1x128xi32, #tpu.memory_space<vmem>> -> memref<128xi32, #tpu.memory_space<vmem>>
        %dma_wait3A_25 = arith.constant 0 : i32
        %dma_wait3A_26 = arith.constant 0 : i32
        %dma_wait3A_27 = tpu.memref_slice %arg2[%dma_wait3A_25, %dma_wait3A_26] : memref<10240x128xf32, #tpu.memory_space<hbm>> -> memref<10240x128xf32, #tpu.memory_space<hbm>>
        tpu.wait_indirect_dma semaphore(%run_scoped3A : memref<!tpu.dma_semaphore, #tpu.memory_space<semaphore_mem>>) src(%dma_wait3A_27 : memref<10240x128xf32, #tpu.memory_space<hbm>>) dst(%arg9 : memref<128x128xf32, #tpu.memory_space<vmem>>)
        tpu.yield
      }) : () -> ()
      "tpu.region"() ({
        %run_scoped3A = tpu.sem_alloc : memref<!tpu.dma_semaphore, #tpu.memory_space<semaphore_mem>>
        %dma_start3A = arith.constant 0 : i32
        %dma_start3A_18 = tpu.memref_slice %arg8[%add3A_17, %dma_start3A] : memref<79x128xi32, #tpu.memory_space<vmem>> -> memref<1x128xi32, #tpu.memory_space<vmem>>
        %dma_start3A_19 = tpu.memref_squeeze %dma_start3A_18 : memref<1x128xi32, #tpu.memory_space<vmem>> -> memref<128xi32, #tpu.memory_space<vmem>>
        %dma_start3A_20 = arith.constant 0 : i32
        %dma_start3A_21 = arith.constant 0 : i32
        %dma_start3A_22 = tpu.memref_slice %arg10[%dma_start3A_20, %dma_start3A_21] : memref<10240x128xf32, #tpu.memory_space<vmem_shared>> -> memref<10240x128xf32, #tpu.memory_space<vmem_shared>>
        tpu.enqueue_indirect_dma source(%arg9 : memref<128x128xf32, #tpu.memory_space<vmem>>) target(%dma_start3A_22 : memref<10240x128xf32, #tpu.memory_space<vmem_shared>>) offsets(%dma_start3A_19 : memref<128xi32, #tpu.memory_space<vmem>>) semaphore(%run_scoped3A : memref<!tpu.dma_semaphore, #tpu.memory_space<semaphore_mem>>) {add = true}
        %dma_wait3A = arith.constant 0 : i32
        %dma_wait3A_23 = tpu.memref_slice %arg8[%add3A_17, %dma_wait3A] : memref<79x128xi32, #tpu.memory_space<vmem>> -> memref<1x128xi32, #tpu.memory_space<vmem>>
        %dma_wait3A_24 = tpu.memref_squeeze %dma_wait3A_23 : memref<1x128xi32, #tpu.memory_space<vmem>> -> memref<128xi32, #tpu.memory_space<vmem>>
        %dma_wait3A_25 = arith.constant 0 : i32
        %dma_wait3A_26 = arith.constant 0 : i32
        %dma_wait3A_27 = tpu.memref_slice %arg10[%dma_wait3A_25, %dma_wait3A_26] : memref<10240x128xf32, #tpu.memory_space<vmem_shared>> -> memref<10240x128xf32, #tpu.memory_space<vmem_shared>>
        tpu.wait_indirect_dma semaphore(%run_scoped3A : memref<!tpu.dma_semaphore, #tpu.memory_space<semaphore_mem>>) src(%arg9 : memref<128x128xf32, #tpu.memory_space<vmem>>) dst(%dma_wait3A_27 : memref<10240x128xf32, #tpu.memory_space<vmem_shared>>)
        tpu.yield
      }) : () -> ()
    }
    %scan3A_6 = arith.constant 79 : i32
    %barrier3A_7 = arith.constant 0 : index
    tpu.barrier barrier_id(%barrier3A_7)
    %eq3A_8 = arith.constant 0 : i32
    %eq3A_9 = arith.cmpi eq, %arg1, %eq3A_8 : i32
    %convert_element_type3A_10 = arith.extui %eq3A_9 : i1 to i32
    %cond3A_11 = arith.constant 0 : i32
    %cond3A_12 = arith.cmpi ne, %convert_element_type3A_10, %cond3A_11 : i32
    scf.if %cond3A_12 {
      "tpu.region"() ({
        %run_scoped3A = tpu.sem_alloc : memref<!tpu.dma_semaphore, #tpu.memory_space<semaphore_mem>>
        %dma_start3A = arith.constant 0 : i32
        %dma_start3A_13 = arith.constant 0 : i32
        %dma_start3A_14 = tpu.memref_slice %arg6[%arg0, %dma_start3A, %dma_start3A_13] : memref<2x10240x128xf32, #tpu.memory_space<hbm>> -> memref<1x10240x128xf32, #tpu.memory_space<hbm>>
        %dma_start3A_15 = tpu.memref_squeeze %dma_start3A_14 : memref<1x10240x128xf32, #tpu.memory_space<hbm>> -> memref<10240x128xf32, #tpu.memory_space<hbm>>
        tpu.enqueue_dma source(%arg10 : memref<10240x128xf32, #tpu.memory_space<vmem_shared>>) target(%dma_start3A_15 : memref<10240x128xf32, #tpu.memory_space<hbm>>) target_semaphore(%run_scoped3A : memref<!tpu.dma_semaphore, #tpu.memory_space<semaphore_mem>>)
        %dma_wait3A = arith.constant 0 : i32
        %dma_wait3A_16 = arith.constant 0 : i32
        %dma_wait3A_17 = tpu.memref_slice %arg6[%arg0, %dma_wait3A, %dma_wait3A_16] : memref<2x10240x128xf32, #tpu.memory_space<hbm>> -> memref<1x10240x128xf32, #tpu.memory_space<hbm>>
        %dma_wait3A_18 = tpu.memref_squeeze %dma_wait3A_17 : memref<1x10240x128xf32, #tpu.memory_space<hbm>> -> memref<10240x128xf32, #tpu.memory_space<hbm>>
        tpu.wait_dma2 semaphore(%run_scoped3A : memref<!tpu.dma_semaphore, #tpu.memory_space<semaphore_mem>>) src(%arg10 : memref<10240x128xf32, #tpu.memory_space<vmem_shared>>) dst(%dma_wait3A_18 : memref<10240x128xf32, #tpu.memory_space<hbm>>)
        tpu.yield
      }) : () -> ()
    } else {
    }
    return
  }
}

#map = affine_map<(d0, d1) -> (0, 0)>
#map1 = affine_map<(d0, d1) -> (0, 0, 0)>
module attributes {stable_mosaic.version = 14 : i64} {
  func.func @_sc_aggregate(%arg0: i32, %arg1: i32, %arg2: memref<10240x128xf32, #tpu.memory_space<hbm>>, %arg3: memref<10240x128xf32, #tpu.memory_space<hbm>>, %arg4: memref<32x79x128xi32, #tpu.memory_space<hbm>>, %arg5: memref<32x79x128xi32, #tpu.memory_space<hbm>>, %arg6: memref<2x10240x128xf32, #tpu.memory_space<hbm>>, %arg7: memref<79x128xi32, #tpu.memory_space<vmem>>, %arg8: memref<79x128xi32, #tpu.memory_space<vmem>>, %arg9: memref<128x128xf32, #tpu.memory_space<vmem>>, %arg10: memref<10240x128xf32, #tpu.memory_space<vmem_shared>>) attributes {dimension_semantics = [#tpu.dimension_semantics<core_parallel>, #tpu.dimension_semantics<subcore_parallel>], iteration_bounds = array<i64: 2, 16>, scalar_prefetch = 0 : i64, scratch_operands = 4 : i64, tpu.core_type = #tpu.core_type<sc_vector_subcore>, window_params = [{transform_indices = #map}, {transform_indices = #map}, {transform_indices = #map1}, {transform_indices = #map1}, {transform_indices = #map1}]} {
    %mul3A = arith.constant 16 : i32
    %mul3A_0 = arith.muli %arg0, %mul3A : i32
    %add3A = arith.addi %mul3A_0, %arg1 : i32
    "tpu.region"() ({
      %run_scoped3A = tpu.sem_alloc : memref<!tpu.dma_semaphore, #tpu.memory_space<semaphore_mem>>
      %dma_start3A = arith.constant 0 : i32
      %dma_start3A_13 = arith.constant 0 : i32
      %dma_start3A_14 = tpu.memref_slice %arg4[%add3A, %dma_start3A, %dma_start3A_13] : memref<32x79x128xi32, #tpu.memory_space<hbm>> -> memref<1x79x128xi32, #tpu.memory_space<hbm>>
      %dma_start3A_15 = tpu.memref_squeeze %dma_start3A_14 : memref<1x79x128xi32, #tpu.memory_space<hbm>> -> memref<79x128xi32, #tpu.memory_space<hbm>>
      %dma_start3A_16 = arith.constant 0 : i32
      %dma_start3A_17 = arith.constant 0 : i32
      %dma_start3A_18 = tpu.memref_slice %arg4[%add3A, %dma_start3A_16, %dma_start3A_17] : memref<32x79x128xi32, #tpu.memory_space<hbm>> -> memref<1x79x128xi32, #tpu.memory_space<hbm>>
      %dma_start3A_19 = tpu.memref_squeeze %dma_start3A_18 : memref<1x79x128xi32, #tpu.memory_space<hbm>> -> memref<79x128xi32, #tpu.memory_space<hbm>>
      tpu.enqueue_dma source(%dma_start3A_19 : memref<79x128xi32, #tpu.memory_space<hbm>>) target(%arg7 : memref<79x128xi32, #tpu.memory_space<vmem>>) target_semaphore(%run_scoped3A : memref<!tpu.dma_semaphore, #tpu.memory_space<semaphore_mem>>)
      %dma_wait3A = arith.constant 0 : i32
      %dma_wait3A_20 = arith.constant 0 : i32
      %dma_wait3A_21 = tpu.memref_slice %arg4[%add3A, %dma_wait3A, %dma_wait3A_20] : memref<32x79x128xi32, #tpu.memory_space<hbm>> -> memref<1x79x128xi32, #tpu.memory_space<hbm>>
      %dma_wait3A_22 = tpu.memref_squeeze %dma_wait3A_21 : memref<1x79x128xi32, #tpu.memory_space<hbm>> -> memref<79x128xi32, #tpu.memory_space<hbm>>
      %dma_wait3A_23 = arith.constant 0 : i32
      %dma_wait3A_24 = arith.constant 0 : i32
      %dma_wait3A_25 = tpu.memref_slice %arg4[%add3A, %dma_wait3A_23, %dma_wait3A_24] : memref<32x79x128xi32, #tpu.memory_space<hbm>> -> memref<1x79x128xi32, #tpu.memory_space<hbm>>
      %dma_wait3A_26 = tpu.memref_squeeze %dma_wait3A_25 : memref<1x79x128xi32, #tpu.memory_space<hbm>> -> memref<79x128xi32, #tpu.memory_space<hbm>>
      tpu.wait_dma2 semaphore(%run_scoped3A : memref<!tpu.dma_semaphore, #tpu.memory_space<semaphore_mem>>) src(%dma_wait3A_26 : memref<79x128xi32, #tpu.memory_space<hbm>>) dst(%arg7 : memref<79x128xi32, #tpu.memory_space<vmem>>)
      tpu.yield
    }) : () -> ()
    "tpu.region"() ({
      %run_scoped3A = tpu.sem_alloc : memref<!tpu.dma_semaphore, #tpu.memory_space<semaphore_mem>>
      %dma_start3A = arith.constant 0 : i32
      %dma_start3A_13 = arith.constant 0 : i32
      %dma_start3A_14 = tpu.memref_slice %arg5[%add3A, %dma_start3A, %dma_start3A_13] : memref<32x79x128xi32, #tpu.memory_space<hbm>> -> memref<1x79x128xi32, #tpu.memory_space<hbm>>
      %dma_start3A_15 = tpu.memref_squeeze %dma_start3A_14 : memref<1x79x128xi32, #tpu.memory_space<hbm>> -> memref<79x128xi32, #tpu.memory_space<hbm>>
      %dma_start3A_16 = arith.constant 0 : i32
      %dma_start3A_17 = arith.constant 0 : i32
      %dma_start3A_18 = tpu.memref_slice %arg5[%add3A, %dma_start3A_16, %dma_start3A_17] : memref<32x79x128xi32, #tpu.memory_space<hbm>> -> memref<1x79x128xi32, #tpu.memory_space<hbm>>
      %dma_start3A_19 = tpu.memref_squeeze %dma_start3A_18 : memref<1x79x128xi32, #tpu.memory_space<hbm>> -> memref<79x128xi32, #tpu.memory_space<hbm>>
      tpu.enqueue_dma source(%dma_start3A_19 : memref<79x128xi32, #tpu.memory_space<hbm>>) target(%arg8 : memref<79x128xi32, #tpu.memory_space<vmem>>) target_semaphore(%run_scoped3A : memref<!tpu.dma_semaphore, #tpu.memory_space<semaphore_mem>>)
      %dma_wait3A = arith.constant 0 : i32
      %dma_wait3A_20 = arith.constant 0 : i32
      %dma_wait3A_21 = tpu.memref_slice %arg5[%add3A, %dma_wait3A, %dma_wait3A_20] : memref<32x79x128xi32, #tpu.memory_space<hbm>> -> memref<1x79x128xi32, #tpu.memory_space<hbm>>
      %dma_wait3A_22 = tpu.memref_squeeze %dma_wait3A_21 : memref<1x79x128xi32, #tpu.memory_space<hbm>> -> memref<79x128xi32, #tpu.memory_space<hbm>>
      %dma_wait3A_23 = arith.constant 0 : i32
      %dma_wait3A_24 = arith.constant 0 : i32
      %dma_wait3A_25 = tpu.memref_slice %arg5[%add3A, %dma_wait3A_23, %dma_wait3A_24] : memref<32x79x128xi32, #tpu.memory_space<hbm>> -> memref<1x79x128xi32, #tpu.memory_space<hbm>>
      %dma_wait3A_26 = tpu.memref_squeeze %dma_wait3A_25 : memref<1x79x128xi32, #tpu.memory_space<hbm>> -> memref<79x128xi32, #tpu.memory_space<hbm>>
      tpu.wait_dma2 semaphore(%run_scoped3A : memref<!tpu.dma_semaphore, #tpu.memory_space<semaphore_mem>>) src(%dma_wait3A_26 : memref<79x128xi32, #tpu.memory_space<hbm>>) dst(%arg8 : memref<79x128xi32, #tpu.memory_space<vmem>>)
      tpu.yield
    }) : () -> ()
    %eq3A = arith.constant 0 : i32
    %eq3A_1 = arith.cmpi eq, %arg1, %eq3A : i32
    %convert_element_type3A = arith.extui %eq3A_1 : i1 to i32
    %cond3A = arith.constant 0 : i32
    %cond3A_2 = arith.cmpi ne, %convert_element_type3A, %cond3A : i32
    scf.if %cond3A_2 {
      "tpu.region"() ({
        %run_scoped3A = tpu.sem_alloc : memref<!tpu.dma_semaphore, #tpu.memory_space<semaphore_mem>>
        tpu.enqueue_dma source(%arg3 : memref<10240x128xf32, #tpu.memory_space<hbm>>) target(%arg10 : memref<10240x128xf32, #tpu.memory_space<vmem_shared>>) target_semaphore(%run_scoped3A : memref<!tpu.dma_semaphore, #tpu.memory_space<semaphore_mem>>)
        tpu.wait_dma2 semaphore(%run_scoped3A : memref<!tpu.dma_semaphore, #tpu.memory_space<semaphore_mem>>) src(%arg3 : memref<10240x128xf32, #tpu.memory_space<hbm>>) dst(%arg10 : memref<10240x128xf32, #tpu.memory_space<vmem_shared>>)
        tpu.yield
      }) : () -> ()
    } else {
    }
    %barrier3A = arith.constant 0 : index
    tpu.barrier barrier_id(%barrier3A)
    %scan3A = arith.constant 0 : i32
    %scan3A_3 = arith.constant 79 : i32
    %scan3A_4 = arith.addi %scan3A, %scan3A_3 : i32
    %scan3A_5 = arith.constant 1 : i32
    scf.for %scan3A_13 = %scan3A to %scan3A_4 step %scan3A_5  : i32 {
      %mul3A_14 = arith.constant 1 : i32
      %mul3A_15 = arith.muli %scan3A_13, %mul3A_14 : i32
      %add3A_16 = arith.constant 0 : i32
      %add3A_17 = arith.addi %add3A_16, %mul3A_15 : i32
      "tpu.region"() ({
        %run_scoped3A = tpu.sem_alloc : memref<!tpu.dma_semaphore, #tpu.memory_space<semaphore_mem>>
        %dma_start3A = arith.constant 0 : i32
        %dma_start3A_18 = tpu.memref_slice %arg7[%add3A_17, %dma_start3A] : memref<79x128xi32, #tpu.memory_space<vmem>> -> memref<1x128xi32, #tpu.memory_space<vmem>>
        %dma_start3A_19 = tpu.memref_squeeze %dma_start3A_18 : memref<1x128xi32, #tpu.memory_space<vmem>> -> memref<128xi32, #tpu.memory_space<vmem>>
        %dma_start3A_20 = arith.constant 0 : i32
        %dma_start3A_21 = arith.constant 0 : i32
        %dma_start3A_22 = tpu.memref_slice %arg2[%dma_start3A_20, %dma_start3A_21] : memref<10240x128xf32, #tpu.memory_space<hbm>> -> memref<10240x128xf32, #tpu.memory_space<hbm>>
        tpu.enqueue_indirect_dma source(%dma_start3A_22 : memref<10240x128xf32, #tpu.memory_space<hbm>>) target(%arg9 : memref<128x128xf32, #tpu.memory_space<vmem>>) offsets(%dma_start3A_19 : memref<128xi32, #tpu.memory_space<vmem>>) semaphore(%run_scoped3A : memref<!tpu.dma_semaphore, #tpu.memory_space<semaphore_mem>>)
        %dma_wait3A = arith.constant 0 : i32
        %dma_wait3A_23 = tpu.memref_slice %arg7[%add3A_17, %dma_wait3A] : memref<79x128xi32, #tpu.memory_space<vmem>> -> memref<1x128xi32, #tpu.memory_space<vmem>>
        %dma_wait3A_24 = tpu.memref_squeeze %dma_wait3A_23 : memref<1x128xi32, #tpu.memory_space<vmem>> -> memref<128xi32, #tpu.memory_space<vmem>>
        %dma_wait3A_25 = arith.constant 0 : i32
        %dma_wait3A_26 = arith.constant 0 : i32
        %dma_wait3A_27 = tpu.memref_slice %arg2[%dma_wait3A_25, %dma_wait3A_26] : memref<10240x128xf32, #tpu.memory_space<hbm>> -> memref<10240x128xf32, #tpu.memory_space<hbm>>
        tpu.wait_indirect_dma semaphore(%run_scoped3A : memref<!tpu.dma_semaphore, #tpu.memory_space<semaphore_mem>>) src(%dma_wait3A_27 : memref<10240x128xf32, #tpu.memory_space<hbm>>) dst(%arg9 : memref<128x128xf32, #tpu.memory_space<vmem>>)
        tpu.yield
      }) : () -> ()
      "tpu.region"() ({
        %run_scoped3A = tpu.sem_alloc : memref<!tpu.dma_semaphore, #tpu.memory_space<semaphore_mem>>
        %dma_start3A = arith.constant 0 : i32
        %dma_start3A_18 = tpu.memref_slice %arg8[%add3A_17, %dma_start3A] : memref<79x128xi32, #tpu.memory_space<vmem>> -> memref<1x128xi32, #tpu.memory_space<vmem>>
        %dma_start3A_19 = tpu.memref_squeeze %dma_start3A_18 : memref<1x128xi32, #tpu.memory_space<vmem>> -> memref<128xi32, #tpu.memory_space<vmem>>
        %dma_start3A_20 = arith.constant 0 : i32
        %dma_start3A_21 = arith.constant 0 : i32
        %dma_start3A_22 = tpu.memref_slice %arg10[%dma_start3A_20, %dma_start3A_21] : memref<10240x128xf32, #tpu.memory_space<vmem_shared>> -> memref<10240x128xf32, #tpu.memory_space<vmem_shared>>
        tpu.enqueue_indirect_dma source(%arg9 : memref<128x128xf32, #tpu.memory_space<vmem>>) target(%dma_start3A_22 : memref<10240x128xf32, #tpu.memory_space<vmem_shared>>) offsets(%dma_start3A_19 : memref<128xi32, #tpu.memory_space<vmem>>) semaphore(%run_scoped3A : memref<!tpu.dma_semaphore, #tpu.memory_space<semaphore_mem>>) {add = true}
        %dma_wait3A = arith.constant 0 : i32
        %dma_wait3A_23 = tpu.memref_slice %arg8[%add3A_17, %dma_wait3A] : memref<79x128xi32, #tpu.memory_space<vmem>> -> memref<1x128xi32, #tpu.memory_space<vmem>>
        %dma_wait3A_24 = tpu.memref_squeeze %dma_wait3A_23 : memref<1x128xi32, #tpu.memory_space<vmem>> -> memref<128xi32, #tpu.memory_space<vmem>>
        %dma_wait3A_25 = arith.constant 0 : i32
        %dma_wait3A_26 = arith.constant 0 : i32
        %dma_wait3A_27 = tpu.memref_slice %arg10[%dma_wait3A_25, %dma_wait3A_26] : memref<10240x128xf32, #tpu.memory_space<vmem_shared>> -> memref<10240x128xf32, #tpu.memory_space<vmem_shared>>
        tpu.wait_indirect_dma semaphore(%run_scoped3A : memref<!tpu.dma_semaphore, #tpu.memory_space<semaphore_mem>>) src(%arg9 : memref<128x128xf32, #tpu.memory_space<vmem>>) dst(%dma_wait3A_27 : memref<10240x128xf32, #tpu.memory_space<vmem_shared>>)
        tpu.yield
      }) : () -> ()
    }
    %scan3A_6 = arith.constant 79 : i32
    %barrier3A_7 = arith.constant 0 : index
    tpu.barrier barrier_id(%barrier3A_7)
    %eq3A_8 = arith.constant 0 : i32
    %eq3A_9 = arith.cmpi eq, %arg1, %eq3A_8 : i32
    %convert_element_type3A_10 = arith.extui %eq3A_9 : i1 to i32
    %cond3A_11 = arith.constant 0 : i32
    %cond3A_12 = arith.cmpi ne, %convert_element_type3A_10, %cond3A_11 : i32
    scf.if %cond3A_12 {
      "tpu.region"() ({
        %run_scoped3A = tpu.sem_alloc : memref<!tpu.dma_semaphore, #tpu.memory_space<semaphore_mem>>
        %dma_start3A = arith.constant 0 : i32
        %dma_start3A_13 = arith.constant 0 : i32
        %dma_start3A_14 = tpu.memref_slice %arg6[%arg0, %dma_start3A, %dma_start3A_13] : memref<2x10240x128xf32, #tpu.memory_space<hbm>> -> memref<1x10240x128xf32, #tpu.memory_space<hbm>>
        %dma_start3A_15 = tpu.memref_squeeze %dma_start3A_14 : memref<1x10240x128xf32, #tpu.memory_space<hbm>> -> memref<10240x128xf32, #tpu.memory_space<hbm>>
        tpu.enqueue_dma source(%arg10 : memref<10240x128xf32, #tpu.memory_space<vmem_shared>>) target(%dma_start3A_15 : memref<10240x128xf32, #tpu.memory_space<hbm>>) target_semaphore(%run_scoped3A : memref<!tpu.dma_semaphore, #tpu.memory_space<semaphore_mem>>)
        %dma_wait3A = arith.constant 0 : i32
        %dma_wait3A_16 = arith.constant 0 : i32
        %dma_wait3A_17 = tpu.memref_slice %arg6[%arg0, %dma_wait3A, %dma_wait3A_16] : memref<2x10240x128xf32, #tpu.memory_space<hbm>> -> memref<1x10240x128xf32, #tpu.memory_space<hbm>>
        %dma_wait3A_18 = tpu.memref_squeeze %dma_wait3A_17 : memref<1x10240x128xf32, #tpu.memory_space<hbm>> -> memref<10240x128xf32, #tpu.memory_space<hbm>>
        tpu.wait_dma2 semaphore(%run_scoped3A : memref<!tpu.dma_semaphore, #tpu.memory_space<semaphore_mem>>) src(%arg10 : memref<10240x128xf32, #tpu.memory_space<vmem_shared>>) dst(%dma_wait3A_18 : memref<10240x128xf32, #tpu.memory_space<hbm>>)
        tpu.yield
      }) : () -> ()
    } else {
    }
    return
  }
}

module attributes {stable_mosaic.version = 14 : i64} {
  func.func @_tc_matmul_body(%arg0: i32, %arg1: memref<512x128xf32, #tpu.memory_space<vmem>>, %arg2: memref<128x128xf32, #tpu.memory_space<vmem>>, %arg3: memref<512x128xf32, #tpu.memory_space<vmem>>) attributes {dimension_semantics = [#tpu.dimension_semantics<arbitrary>], iteration_bounds = array<i64: 20>, scalar_prefetch = 0 : i64, scratch_operands = 0 : i64, tpu.core_type = #tpu.core_type<tc>, window_params = [{transform_indices = @transform_0, window_bounds = array<i64: 512, 128>}, {pipeline_mode = #tpu.pipeline_mode<synchronous>, transform_indices = @transform_1, window_bounds = array<i64: 128, 128>}, {transform_indices = @transform_2, window_bounds = array<i64: 512, 128>}]} {
    %get3A = arith.constant 0 : index
    %get3A_0 = arith.constant 0 : index
    %get3A_1 = vector.load %arg1[%get3A, %get3A_0] : memref<512x128xf32, #tpu.memory_space<vmem>>, vector<512x128xf32>
    %get3A_2 = arith.constant 0 : index
    %get3A_3 = arith.constant 0 : index
    %get3A_4 = vector.load %arg2[%get3A_2, %get3A_3] : memref<128x128xf32, #tpu.memory_space<vmem>>, vector<128x128xf32>
    %dot_general3A = arith.constant dense<0.000000e+00> : vector<512x128xf32>
    %dot_general3A_5 = tpu.matmul %get3A_1, %get3A_4, %dot_general3A {dimension_numbers = #tpu.dot_dimension_numbers<[1], [0], [0], [1], [0, 0, 1, 1], [], []>, transpose_lhs_hint = false} : vector<512x128xf32>, vector<128x128xf32>, vector<512x128xf32> -> vector<512x128xf32>
    %swap3A = arith.constant 0 : index
    %swap3A_6 = arith.constant 0 : index
    %swap3A_7 = vector.load %arg3[%swap3A, %swap3A_6] : memref<512x128xf32, #tpu.memory_space<vmem>>, vector<512x128xf32>
    tpu.vector_store %arg3[%swap3A, %swap3A_6], %dot_general3A_5 {strides = array<i32>} : memref<512x128xf32, #tpu.memory_space<vmem>>, vector<512x128xf32>,
    return
  }
  func.func @transform_0(%arg0: i32) -> (i32, i32) {
    %c0_i32 = arith.constant 0 : i32
    %c0_i32_0 = arith.constant 0 : i32
    return %arg0, %c0_i32 : i32, i32
  }
  func.func @transform_1(%arg0: i32) -> (i32, i32) {
    %c0_i32 = arith.constant 0 : i32
    %c0_i32_0 = arith.constant 0 : i32
    %c0_i32_1 = arith.constant 0 : i32
    return %c0_i32, %c0_i32_0 : i32, i32
  }
  func.func @transform_2(%arg0: i32) -> (i32, i32) {
    %c0_i32 = arith.constant 0 : i32
    %c0_i32_0 = arith.constant 0 : i32
    return %arg0, %c0_i32 : i32, i32
  }
}

module attributes {stable_mosaic.version = 14 : i64} {
  func.func @_tc_dinv_body(%arg0: i32, %arg1: memref<32x8x128xf32, #tpu.memory_space<vmem>>, %arg2: memref<128x16xf32, #tpu.memory_space<vmem>>, %arg3: memref<8x16xf32, #tpu.memory_space<vmem>>) attributes {dimension_semantics = [#tpu.dimension_semantics<arbitrary>], iteration_bounds = array<i64: 80>, scalar_prefetch = 0 : i64, scratch_operands = 0 : i64, tpu.core_type = #tpu.core_type<tc>, window_params = [{transform_indices = @transform_0, window_bounds = array<i64: 32, 8, 128>}, {pipeline_mode = #tpu.pipeline_mode<synchronous>, transform_indices = @transform_1, window_bounds = array<i64: 128, 16>}, {transform_indices = @transform_2, window_bounds = array<i64: 8, 16>}]} {
    %get3A = arith.constant 0 : index
    %get3A_0 = arith.constant 0 : index
    %get3A_1 = arith.constant 0 : index
    %get3A_2 = vector.load %arg1[%get3A, %get3A_0, %get3A_1] : memref<32x8x128xf32, #tpu.memory_space<vmem>>, vector<32x8x128xf32>
    %reduce_sum3A = arith.constant dense<0.000000e+00> : vector<8x128xf32>
    %reduce_sum3A_3 = vector.multi_reduction <add>, %get3A_2, %reduce_sum3A [0] : vector<32x8x128xf32> to vector<8x128xf32>
    %get3A_4 = arith.constant 0 : index
    %get3A_5 = arith.constant 0 : index
    %get3A_6 = vector.load %arg2[%get3A_4, %get3A_5] : memref<128x16xf32, #tpu.memory_space<vmem>>, vector<128x16xf32>
    %dot_general3A = arith.constant dense<0.000000e+00> : vector<8x16xf32>
    %dot_general3A_7 = tpu.matmul %reduce_sum3A_3, %get3A_6, %dot_general3A {dimension_numbers = #tpu.dot_dimension_numbers<[1], [0], [0], [1], [0, 0, 1, 1], [], []>, transpose_lhs_hint = false} : vector<8x128xf32>, vector<128x16xf32>, vector<8x16xf32> -> vector<8x16xf32>
    %add3A = arith.constant 1.000000e+00 : f32
    %add3A_8 = vector.broadcast %add3A : f32 to vector<8x16xf32>
    %add3A_9 = arith.addf %dot_general3A_7, %add3A_8 : vector<8x16xf32>
    %rsqrt3A = math.rsqrt %add3A_9 : vector<8x16xf32>
    %swap3A = arith.constant 0 : index
    %swap3A_10 = arith.constant 0 : index
    %swap3A_11 = vector.load %arg3[%swap3A, %swap3A_10] : memref<8x16xf32, #tpu.memory_space<vmem>>, vector<8x16xf32>
    tpu.vector_store %arg3[%swap3A, %swap3A_10], %rsqrt3A {strides = array<i32>} : memref<8x16xf32, #tpu.memory_space<vmem>>, vector<8x16xf32>,
    return
  }
  func.func @transform_0(%arg0: i32) -> (i32, i32, i32) {
    %c0_i32 = arith.constant 0 : i32
    %c0_i32_0 = arith.constant 0 : i32
    %c0_i32_1 = arith.constant 0 : i32
    return %c0_i32, %arg0, %c0_i32_0 : i32, i32, i32
  }
  func.func @transform_1(%arg0: i32) -> (i32, i32) {
    %c0_i32 = arith.constant 0 : i32
    %c0_i32_0 = arith.constant 0 : i32
    %c0_i32_1 = arith.constant 0 : i32
    return %c0_i32, %c0_i32_0 : i32, i32
  }
  func.func @transform_2(%arg0: i32) -> (i32, i32) {
    %c0_i32 = arith.constant 0 : i32
    %c0_i32_0 = arith.constant 0 : i32
    return %arg0, %c0_i32 : i32, i32
  }
}

module attributes {stable_mosaic.version = 14 : i64} {
  func.func @_tc_scale_body(%arg0: i32, %arg1: memref<512x1xf32, #tpu.memory_space<vmem>>, %arg2: memref<512x128xf32, #tpu.memory_space<vmem>>, %arg3: memref<512x128xf32, #tpu.memory_space<vmem>>) attributes {dimension_semantics = [#tpu.dimension_semantics<arbitrary>], iteration_bounds = array<i64: 20>, scalar_prefetch = 0 : i64, scratch_operands = 0 : i64, tpu.core_type = #tpu.core_type<tc>, window_params = [{transform_indices = @transform_0, window_bounds = array<i64: 512, 1>}, {transform_indices = @transform_1, window_bounds = array<i64: 512, 128>}, {transform_indices = @transform_2, window_bounds = array<i64: 512, 128>}]} {
    %get3A = arith.constant 0 : index
    %get3A_0 = arith.constant 0 : index
    %get3A_1 = vector.load %arg1[%get3A, %get3A_0] : memref<512x1xf32, #tpu.memory_space<vmem>>, vector<512x1xf32>
    %get3A_2 = arith.constant 0 : index
    %get3A_3 = arith.constant 0 : index
    %get3A_4 = vector.load %arg2[%get3A_2, %get3A_3] : memref<512x128xf32, #tpu.memory_space<vmem>>, vector<512x128xf32>
    %mul3A = vector.broadcast %get3A_1 : vector<512x1xf32> to vector<512x128xf32>
    %mul3A_5 = arith.mulf %mul3A, %get3A_4 : vector<512x128xf32>
    %swap3A = arith.constant 0 : index
    %swap3A_6 = arith.constant 0 : index
    %swap3A_7 = vector.load %arg3[%swap3A, %swap3A_6] : memref<512x128xf32, #tpu.memory_space<vmem>>, vector<512x128xf32>
    tpu.vector_store %arg3[%swap3A, %swap3A_6], %mul3A_5 {strides = array<i32>} : memref<512x128xf32, #tpu.memory_space<vmem>>, vector<512x128xf32>,
    return
  }
  func.func @transform_0(%arg0: i32) -> (i32, i32) {
    %c0_i32 = arith.constant 0 : i32
    %c0_i32_0 = arith.constant 0 : i32
    return %arg0, %c0_i32 : i32, i32
  }
  func.func @transform_1(%arg0: i32) -> (i32, i32) {
    %c0_i32 = arith.constant 0 : i32
    %c0_i32_0 = arith.constant 0 : i32
    return %arg0, %c0_i32 : i32, i32
  }
  func.func @transform_2(%arg0: i32) -> (i32, i32) {
    %c0_i32 = arith.constant 0 : i32
    %c0_i32_0 = arith.constant 0 : i32
    return %arg0, %c0_i32 : i32, i32
  }
}

module attributes {stable_mosaic.version = 14 : i64} {
  func.func @_tc_mid_body(%arg0: i32, %arg1: memref<512x128xf32, #tpu.memory_space<vmem>>, %arg2: memref<512x128xf32, #tpu.memory_space<vmem>>, %arg3: memref<512x128xf32, #tpu.memory_space<vmem>>, %arg4: memref<512x1xf32, #tpu.memory_space<vmem>>, %arg5: memref<1x128xf32, #tpu.memory_space<vmem>>, %arg6: memref<128x128xf32, #tpu.memory_space<vmem>>, %arg7: memref<512x128xf32, #tpu.memory_space<vmem>>) attributes {dimension_semantics = [#tpu.dimension_semantics<arbitrary>], iteration_bounds = array<i64: 20>, scalar_prefetch = 0 : i64, scratch_operands = 0 : i64, tpu.core_type = #tpu.core_type<tc>, window_params = [{transform_indices = @transform_0, window_bounds = array<i64: 512, 128>}, {transform_indices = @transform_1, window_bounds = array<i64: 512, 128>}, {transform_indices = @transform_2, window_bounds = array<i64: 512, 128>}, {transform_indices = @transform_3, window_bounds = array<i64: 512, 1>}, {pipeline_mode = #tpu.pipeline_mode<synchronous>, transform_indices = @transform_4, window_bounds = array<i64: 1, 128>}, {pipeline_mode = #tpu.pipeline_mode<synchronous>, transform_indices = @transform_5, window_bounds = array<i64: 128, 128>}, {transform_indices = @transform_6, window_bounds = array<i64: 512, 128>}]} {
    %get3A = arith.constant 0 : index
    %get3A_0 = arith.constant 0 : index
    %get3A_1 = vector.load %arg4[%get3A, %get3A_0] : memref<512x1xf32, #tpu.memory_space<vmem>>, vector<512x1xf32>
    %get3A_2 = arith.constant 0 : index
    %get3A_3 = arith.constant 0 : index
    %get3A_4 = vector.load %arg1[%get3A_2, %get3A_3] : memref<512x128xf32, #tpu.memory_space<vmem>>, vector<512x128xf32>
    %get3A_5 = arith.constant 0 : index
    %get3A_6 = arith.constant 0 : index
    %get3A_7 = vector.load %arg2[%get3A_5, %get3A_6] : memref<512x128xf32, #tpu.memory_space<vmem>>, vector<512x128xf32>
    %add3A = arith.addf %get3A_4, %get3A_7 : vector<512x128xf32>
    %get3A_8 = arith.constant 0 : index
    %get3A_9 = arith.constant 0 : index
    %get3A_10 = vector.load %arg3[%get3A_8, %get3A_9] : memref<512x128xf32, #tpu.memory_space<vmem>>, vector<512x128xf32>
    %add3A_11 = arith.addf %add3A, %get3A_10 : vector<512x128xf32>
    %mul3A = vector.broadcast %get3A_1 : vector<512x1xf32> to vector<512x128xf32>
    %mul3A_12 = arith.mulf %mul3A, %add3A_11 : vector<512x128xf32>
    %get3A_13 = arith.constant 0 : index
    %get3A_14 = arith.constant 0 : index
    %get3A_15 = vector.load %arg5[%get3A_13, %get3A_14] : memref<1x128xf32, #tpu.memory_space<vmem>>, vector<1x128xf32>
    %add3A_16 = vector.broadcast %get3A_15 : vector<1x128xf32> to vector<512x128xf32>
    %add3A_17 = arith.addf %mul3A_12, %add3A_16 : vector<512x128xf32>
    %mul3A_18 = arith.constant 5.000000e-01 : f32
    %mul3A_19 = vector.broadcast %mul3A_18 : f32 to vector<512x128xf32>
    %mul3A_20 = arith.mulf %mul3A_19, %add3A_17 : vector<512x128xf32>
    %mul3A_21 = arith.constant 0.707106769 : f32
    %mul3A_22 = vector.broadcast %mul3A_21 : f32 to vector<512x128xf32>
    %mul3A_23 = arith.mulf %add3A_17, %mul3A_22 : vector<512x128xf32>
    %erf3A = math.erf %mul3A_23 : vector<512x128xf32>
    %add3A_24 = arith.constant 1.000000e+00 : f32
    %add3A_25 = vector.broadcast %add3A_24 : f32 to vector<512x128xf32>
    %add3A_26 = arith.addf %add3A_25, %erf3A : vector<512x128xf32>
    %mul3A_27 = arith.mulf %mul3A_20, %add3A_26 : vector<512x128xf32>
    %get3A_28 = arith.constant 0 : index
    %get3A_29 = arith.constant 0 : index
    %get3A_30 = vector.load %arg6[%get3A_28, %get3A_29] : memref<128x128xf32, #tpu.memory_space<vmem>>, vector<128x128xf32>
    %dot_general3A = arith.constant dense<0.000000e+00> : vector<512x128xf32>
    %dot_general3A_31 = tpu.matmul %mul3A_27, %get3A_30, %dot_general3A {dimension_numbers = #tpu.dot_dimension_numbers<[1], [0], [0], [1], [0, 0, 1, 1], [], []>, transpose_lhs_hint = false} : vector<512x128xf32>, vector<128x128xf32>, vector<512x128xf32> -> vector<512x128xf32>
    %mul3A_32 = vector.broadcast %get3A_1 : vector<512x1xf32> to vector<512x128xf32>
    %mul3A_33 = arith.mulf %mul3A_32, %dot_general3A_31 : vector<512x128xf32>
    %swap3A = arith.constant 0 : index
    %swap3A_34 = arith.constant 0 : index
    %swap3A_35 = vector.load %arg7[%swap3A, %swap3A_34] : memref<512x128xf32, #tpu.memory_space<vmem>>, vector<512x128xf32>
    tpu.vector_store %arg7[%swap3A, %swap3A_34], %mul3A_33 {strides = array<i32>} : memref<512x128xf32, #tpu.memory_space<vmem>>, vector<512x128xf32>,
    return
  }
  func.func @transform_0(%arg0: i32) -> (i32, i32) {
    %c0_i32 = arith.constant 0 : i32
    %c0_i32_0 = arith.constant 0 : i32
    return %arg0, %c0_i32 : i32, i32
  }
  func.func @transform_1(%arg0: i32) -> (i32, i32) {
    %c0_i32 = arith.constant 0 : i32
    %c0_i32_0 = arith.constant 0 : i32
    return %arg0, %c0_i32 : i32, i32
  }
  func.func @transform_2(%arg0: i32) -> (i32, i32) {
    %c0_i32 = arith.constant 0 : i32
    %c0_i32_0 = arith.constant 0 : i32
    return %arg0, %c0_i32 : i32, i32
  }
  func.func @transform_3(%arg0: i32) -> (i32, i32) {
    %c0_i32 = arith.constant 0 : i32
    %c0_i32_0 = arith.constant 0 : i32
    return %arg0, %c0_i32 : i32, i32
  }
  func.func @transform_4(%arg0: i32) -> (i32, i32) {
    %c0_i32 = arith.constant 0 : i32
    %c0_i32_0 = arith.constant 0 : i32
    %c0_i32_1 = arith.constant 0 : i32
    return %c0_i32, %c0_i32_0 : i32, i32
  }
  func.func @transform_5(%arg0: i32) -> (i32, i32) {
    %c0_i32 = arith.constant 0 : i32
    %c0_i32_0 = arith.constant 0 : i32
    %c0_i32_1 = arith.constant 0 : i32
    return %c0_i32, %c0_i32_0 : i32, i32
  }
  func.func @transform_6(%arg0: i32) -> (i32, i32) {
    %c0_i32 = arith.constant 0 : i32
    %c0_i32_0 = arith.constant 0 : i32
    return %arg0, %c0_i32 : i32, i32
  }
}

module attributes {stable_mosaic.version = 14 : i64} {
  func.func @_tc_final_body(%arg0: i32, %arg1: memref<512x128xf32, #tpu.memory_space<vmem>>, %arg2: memref<512x128xf32, #tpu.memory_space<vmem>>, %arg3: memref<512x128xf32, #tpu.memory_space<vmem>>, %arg4: memref<512x1xf32, #tpu.memory_space<vmem>>, %arg5: memref<1x128xf32, #tpu.memory_space<vmem>>, %arg6: memref<1x1x512xi32, #tpu.memory_space<vmem>>, %arg7: memref<128x10xf32, #tpu.memory_space<vmem>>, %arg8: memref<1x10xf32, #tpu.memory_space<vmem>>, %arg9: memref<64x10xf32, #tpu.memory_space<vmem>>, %arg10: memref<64x128xf32, #tpu.memory_space<vmem>>, %arg11: memref<64x1xf32, #tpu.memory_space<vmem>>) attributes {dimension_semantics = [#tpu.dimension_semantics<arbitrary>], iteration_bounds = array<i64: 20>, scalar_prefetch = 0 : i64, scratch_operands = 2 : i64, tpu.core_type = #tpu.core_type<tc>, window_params = [{transform_indices = @transform_0, window_bounds = array<i64: 512, 128>}, {transform_indices = @transform_1, window_bounds = array<i64: 512, 128>}, {transform_indices = @transform_2, window_bounds = array<i64: 512, 128>}, {transform_indices = @transform_3, window_bounds = array<i64: 512, 1>}, {pipeline_mode = #tpu.pipeline_mode<synchronous>, transform_indices = @transform_4, window_bounds = array<i64: 1, 128>}, {transform_indices = @transform_5, window_bounds = array<i64: 1, 1, 512>}, {pipeline_mode = #tpu.pipeline_mode<synchronous>, transform_indices = @transform_6, window_bounds = array<i64: 128, 10>}, {pipeline_mode = #tpu.pipeline_mode<synchronous>, transform_indices = @transform_7, window_bounds = array<i64: 1, 10>}, {pipeline_mode = #tpu.pipeline_mode<synchronous>, transform_indices = @transform_8, window_bounds = array<i64: 64, 10>}]} {
    %eq3A = arith.constant 0 : i32
    %eq3A_0 = arith.cmpi eq, %arg0, %eq3A : i32
    %convert_element_type3A = arith.extui %eq3A_0 : i1 to i32
    %cond3A = arith.constant 0 : i32
    %cond3A_1 = arith.cmpi ne, %convert_element_type3A, %cond3A : i32
    scf.if %cond3A_1 {
      %broadcast_in_dim3A_59 = arith.constant 0.000000e+00 : f32
      %broadcast_in_dim3A_60 = vector.broadcast %broadcast_in_dim3A_59 : f32 to vector<64x128xf32>
      %swap3A_61 = arith.constant 0 : index
      %swap3A_62 = arith.constant 0 : index
      %swap3A_63 = vector.load %arg10[%swap3A_61, %swap3A_62] : memref<64x128xf32, #tpu.memory_space<vmem>>, vector<64x128xf32>
      tpu.vector_store %arg10[%swap3A_61, %swap3A_62], %broadcast_in_dim3A_60 {strides = array<i32>} : memref<64x128xf32, #tpu.memory_space<vmem>>, vector<64x128xf32>,
      %broadcast_in_dim3A_64 = arith.constant 0.000000e+00 : f32
      %broadcast_in_dim3A_65 = vector.broadcast %broadcast_in_dim3A_64 : f32 to vector<64x1xf32>
      %swap3A_66 = arith.constant 0 : index
      %swap3A_67 = arith.constant 0 : index
      %swap3A_68 = vector.load %arg11[%swap3A_66, %swap3A_67] : memref<64x1xf32, #tpu.memory_space<vmem>>, vector<64x1xf32>
      tpu.vector_store %arg11[%swap3A_66, %swap3A_67], %broadcast_in_dim3A_65 {strides = array<i32>} : memref<64x1xf32, #tpu.memory_space<vmem>>, vector<64x1xf32>,
    } else {
    }
    %get3A = arith.constant 0 : index
    %get3A_2 = arith.constant 0 : index
    %get3A_3 = vector.load %arg4[%get3A, %get3A_2] : memref<512x1xf32, #tpu.memory_space<vmem>>, vector<512x1xf32>
    %get3A_4 = arith.constant 0 : index
    %get3A_5 = arith.constant 0 : index
    %get3A_6 = vector.load %arg1[%get3A_4, %get3A_5] : memref<512x128xf32, #tpu.memory_space<vmem>>, vector<512x128xf32>
    %get3A_7 = arith.constant 0 : index
    %get3A_8 = arith.constant 0 : index
    %get3A_9 = vector.load %arg2[%get3A_7, %get3A_8] : memref<512x128xf32, #tpu.memory_space<vmem>>, vector<512x128xf32>
    %add3A = arith.addf %get3A_6, %get3A_9 : vector<512x128xf32>
    %get3A_10 = arith.constant 0 : index
    %get3A_11 = arith.constant 0 : index
    %get3A_12 = vector.load %arg3[%get3A_10, %get3A_11] : memref<512x128xf32, #tpu.memory_space<vmem>>, vector<512x128xf32>
    %add3A_13 = arith.addf %add3A, %get3A_12 : vector<512x128xf32>
    %mul3A = vector.broadcast %get3A_3 : vector<512x1xf32> to vector<512x128xf32>
    %mul3A_14 = arith.mulf %mul3A, %add3A_13 : vector<512x128xf32>
    %get3A_15 = arith.constant 0 : index
    %get3A_16 = arith.constant 0 : index
    %get3A_17 = vector.load %arg5[%get3A_15, %get3A_16] : memref<1x128xf32, #tpu.memory_space<vmem>>, vector<1x128xf32>
    %add3A_18 = vector.broadcast %get3A_17 : vector<1x128xf32> to vector<512x128xf32>
    %add3A_19 = arith.addf %mul3A_14, %add3A_18 : vector<512x128xf32>
    %mul3A_20 = arith.constant 5.000000e-01 : f32
    %mul3A_21 = vector.broadcast %mul3A_20 : f32 to vector<512x128xf32>
    %mul3A_22 = arith.mulf %mul3A_21, %add3A_19 : vector<512x128xf32>
    %mul3A_23 = arith.constant 0.707106769 : f32
    %mul3A_24 = vector.broadcast %mul3A_23 : f32 to vector<512x128xf32>
    %mul3A_25 = arith.mulf %add3A_19, %mul3A_24 : vector<512x128xf32>
    %erf3A = math.erf %mul3A_25 : vector<512x128xf32>
    %add3A_26 = arith.constant 1.000000e+00 : f32
    %add3A_27 = vector.broadcast %add3A_26 : f32 to vector<512x128xf32>
    %add3A_28 = arith.addf %add3A_27, %erf3A : vector<512x128xf32>
    %mul3A_29 = arith.mulf %mul3A_22, %add3A_28 : vector<512x128xf32>
    %get3A_30 = arith.constant 0 : index
    %get3A_31 = arith.constant 0 : index
    %get3A_32 = arith.constant 0 : index
    %get3A_33 = vector.load %arg6[%get3A_30, %get3A_31, %get3A_32] : memref<1x1x512xi32, #tpu.memory_space<vmem>>, vector<1x1x512xi32>
    %reshape3A = vector.shape_cast %get3A_33 : vector<1x1x512xi32> to vector<1x512xi32>
    %iota3A = tpu.iota {dimensions = array<i32: 0>} : vector<64x1xi32>
    %eq3A_34 = vector.broadcast %reshape3A : vector<1x512xi32> to vector<64x512xi32>
    %eq3A_35 = vector.broadcast %iota3A : vector<64x1xi32> to vector<64x512xi32>
    %eq3A_36 = arith.cmpi eq, %eq3A_34, %eq3A_35 : vector<64x512xi32>
    %convert_element_type3A_37 = arith.extui %eq3A_36 : vector<64x512xi1> to vector<64x512xi32>
    %convert_element_type3A_38 = arith.sitofp %convert_element_type3A_37 : vector<64x512xi32> to vector<64x512xf32>
    %get3A_39 = arith.constant 0 : index
    %get3A_40 = arith.constant 0 : index
    %get3A_41 = vector.load %arg10[%get3A_39, %get3A_40] : memref<64x128xf32, #tpu.memory_space<vmem>>, vector<64x128xf32>
    %dot_general3A = arith.constant dense<0.000000e+00> : vector<64x128xf32>
    %dot_general3A_42 = tpu.matmul %convert_element_type3A_38, %mul3A_29, %dot_general3A {dimension_numbers = #tpu.dot_dimension_numbers<[1], [0], [0], [1], [0, 0, 1, 1], [], []>, transpose_lhs_hint = false} : vector<64x512xf32>, vector<512x128xf32>, vector<64x128xf32> -> vector<64x128xf32>
    %add3A_43 = arith.addf %get3A_41, %dot_general3A_42 : vector<64x128xf32>
    %swap3A = arith.constant 0 : index
    %swap3A_44 = arith.constant 0 : index
    %swap3A_45 = vector.load %arg10[%swap3A, %swap3A_44] : memref<64x128xf32, #tpu.memory_space<vmem>>, vector<64x128xf32>
    tpu.vector_store %arg10[%swap3A, %swap3A_44], %add3A_43 {strides = array<i32>} : memref<64x128xf32, #tpu.memory_space<vmem>>, vector<64x128xf32>,
    %get3A_46 = arith.constant 0 : index
    %get3A_47 = arith.constant 0 : index
    %get3A_48 = vector.load %arg11[%get3A_46, %get3A_47] : memref<64x1xf32, #tpu.memory_space<vmem>>, vector<64x1xf32>
    %reduce_sum3A = arith.constant dense<0.000000e+00> : vector<64xf32>
    %reduce_sum3A_49 = vector.multi_reduction <add>, %convert_element_type3A_38, %reduce_sum3A [1] : vector<64x512xf32> to vector<64xf32>
    %broadcast_in_dim3A = vector.shape_cast %reduce_sum3A_49 : vector<64xf32> to vector<64x1xf32>
    %add3A_50 = arith.addf %get3A_48, %broadcast_in_dim3A : vector<64x1xf32>
    %swap3A_51 = arith.constant 0 : index
    %swap3A_52 = arith.constant 0 : index
    %swap3A_53 = vector.load %arg11[%swap3A_51, %swap3A_52] : memref<64x1xf32, #tpu.memory_space<vmem>>, vector<64x1xf32>
    tpu.vector_store %arg11[%swap3A_51, %swap3A_52], %add3A_50 {strides = array<i32>} : memref<64x1xf32, #tpu.memory_space<vmem>>, vector<64x1xf32>,
    %eq3A_54 = arith.constant 19 : i32
    %eq3A_55 = arith.cmpi eq, %arg0, %eq3A_54 : i32
    %convert_element_type3A_56 = arith.extui %eq3A_55 : i1 to i32
    %cond3A_57 = arith.constant 0 : i32
    %cond3A_58 = arith.cmpi ne, %convert_element_type3A_56, %cond3A_57 : i32
    scf.if %cond3A_58 {
      %get3A_59 = arith.constant 0 : index
      %get3A_60 = arith.constant 0 : index
      %get3A_61 = vector.load %arg10[%get3A_59, %get3A_60] : memref<64x128xf32, #tpu.memory_space<vmem>>, vector<64x128xf32>
      %get3A_62 = arith.constant 0 : index
      %get3A_63 = arith.constant 0 : index
      %get3A_64 = vector.load %arg11[%get3A_62, %get3A_63] : memref<64x1xf32, #tpu.memory_space<vmem>>, vector<64x1xf32>
      %max3A = arith.constant 1.000000e+00 : f32
      %max3A_65 = vector.broadcast %max3A : f32 to vector<64x1xf32>
      %max3A_66 = arith.maximumf %get3A_64, %max3A_65 : vector<64x1xf32>
      %get3A_67 = arith.constant 0 : index
      %get3A_68 = arith.constant 0 : index
      %get3A_69 = vector.load %arg7[%get3A_67, %get3A_68] : memref<128x10xf32, #tpu.memory_space<vmem>>, vector<128x10xf32>
      %dot_general3A_70 = arith.constant dense<0.000000e+00> : vector<64x10xf32>
      %dot_general3A_71 = tpu.matmul %get3A_61, %get3A_69, %dot_general3A_70 {dimension_numbers = #tpu.dot_dimension_numbers<[1], [0], [0], [1], [0, 0, 1, 1], [], []>, transpose_lhs_hint = false} : vector<64x128xf32>, vector<128x10xf32>, vector<64x10xf32> -> vector<64x10xf32>
      %div3A = vector.broadcast %max3A_66 : vector<64x1xf32> to vector<64x10xf32>
      %div3A_72 = arith.divf %dot_general3A_71, %div3A : vector<64x10xf32>
      %get3A_73 = arith.constant 0 : index
      %get3A_74 = arith.constant 0 : index
      %get3A_75 = vector.load %arg8[%get3A_73, %get3A_74] : memref<1x10xf32, #tpu.memory_space<vmem>>, vector<1x10xf32>
      %add3A_76 = vector.broadcast %get3A_75 : vector<1x10xf32> to vector<64x10xf32>
      %add3A_77 = arith.addf %div3A_72, %add3A_76 : vector<64x10xf32>
      %swap3A_78 = arith.constant 0 : index
      %swap3A_79 = arith.constant 0 : index
      %swap3A_80 = vector.load %arg9[%swap3A_78, %swap3A_79] : memref<64x10xf32, #tpu.memory_space<vmem>>, vector<64x10xf32>
      tpu.vector_store %arg9[%swap3A_78, %swap3A_79], %add3A_77 {strides = array<i32>} : memref<64x10xf32, #tpu.memory_space<vmem>>, vector<64x10xf32>,
    } else {
    }
    return
  }
  func.func @transform_0(%arg0: i32) -> (i32, i32) {
    %c0_i32 = arith.constant 0 : i32
    %c0_i32_0 = arith.constant 0 : i32
    return %arg0, %c0_i32 : i32, i32
  }
  func.func @transform_1(%arg0: i32) -> (i32, i32) {
    %c0_i32 = arith.constant 0 : i32
    %c0_i32_0 = arith.constant 0 : i32
    return %arg0, %c0_i32 : i32, i32
  }
  func.func @transform_2(%arg0: i32) -> (i32, i32) {
    %c0_i32 = arith.constant 0 : i32
    %c0_i32_0 = arith.constant 0 : i32
    return %arg0, %c0_i32 : i32, i32
  }
  func.func @transform_3(%arg0: i32) -> (i32, i32) {
    %c0_i32 = arith.constant 0 : i32
    %c0_i32_0 = arith.constant 0 : i32
    return %arg0, %c0_i32 : i32, i32
  }
  func.func @transform_4(%arg0: i32) -> (i32, i32) {
    %c0_i32 = arith.constant 0 : i32
    %c0_i32_0 = arith.constant 0 : i32
    %c0_i32_1 = arith.constant 0 : i32
    return %c0_i32, %c0_i32_0 : i32, i32
  }
  func.func @transform_5(%arg0: i32) -> (i32, i32, i32) {
    %c0_i32 = arith.constant 0 : i32
    %c0_i32_0 = arith.constant 0 : i32
    %c0_i32_1 = arith.constant 0 : i32
    return %arg0, %c0_i32, %c0_i32_0 : i32, i32, i32
  }
  func.func @transform_6(%arg0: i32) -> (i32, i32) {
    %c0_i32 = arith.constant 0 : i32
    %c0_i32_0 = arith.constant 0 : i32
    %c0_i32_1 = arith.constant 0 : i32
    return %c0_i32, %c0_i32_0 : i32, i32
  }
  func.func @transform_7(%arg0: i32) -> (i32, i32) {
    %c0_i32 = arith.constant 0 : i32
    %c0_i32_0 = arith.constant 0 : i32
    %c0_i32_1 = arith.constant 0 : i32
    return %c0_i32, %c0_i32_0 : i32, i32
  }
  func.func @transform_8(%arg0: i32) -> (i32, i32) {
    %c0_i32 = arith.constant 0 : i32
    %c0_i32_0 = arith.constant 0 : i32
    %c0_i32_1 = arith.constant 0 : i32
    return %c0_i32, %c0_i32_0 : i32, i32
  }
}

</mosaic_0001>

<sc_bundles>
// kernel: kernel.10.cloned.1.call-start
scs
__scs_entry_jumppad:
0x0: {  	(pc) =	sbr.rel $0x88, $3  }
0x1: {  	(tag) =	ssettag $0x0;
	lr =	simm.s32 $0x1  }
0x2: {  	[smem:$0x3F98] =	sst lr;
	_ =	strace $0xD0000000  }
0x3: {  	_ = 	snop  }
0x4: {  	_ = 	snop  }
0x5: {  	_ = 	snop  }
0x6: {  	_ = 	snop  }
0x7: {  	_ = 	snop  }
__scs_overlays_trampoline_lowered:
0x8: {  	[smem:$0x3FA7] =	sst s0  }
0x9: {  	[smem:$0x3FA8] =	sst s1  }
0xa: {  	[smem:$0x3FA9] =	sst s2  }
0xb: {  	[smem:$0x3FAA] =	sst s3  }
0xc: {  	[smem:$0x3FAB] =	sst s4  }
0xd: {  	[smem:$0x3FAC] =	sst s5  }
0xe: {  	[smem:$0x3FAD] =	sst s6  }
0xf: {  	[smem:$0x3FAE] =	sst s7  }
0x10: {  	[smem:$0x3FAF] =	sst s8  }
0x11: {  	[smem:$0x3FB0] =	sst s9;
	s0 =	simm.s32 @!p0 $0x0  }
0x12: {  	s1 =	sld [smem:$0x3F96];
	s0 =	simm.s32 @p0 $0x1  }
0x13: {  	[smem:$0x3FB1] =	sst s0;
	s0 =	simm.s32 @!p1 $0x0  }
0x14: {  	s2 =	sld [smem:$0x3F95];
	s0 =	simm.s32 @p1 $0x1  }
0x15: {  	[smem:$0x3FB2] =	sst s0;
	s0 =	simm.s32 @!p2 $0x0  }
0x16: {  	s3 =	sld [smem:$0x3FDB];
	s0 =	simm.s32 @p2 $0x1  }
0x17: {  	s4 =	simm.s32 $0x1BF5;
	[smem:$0x3FB4] =	sst s0  }
0x18: {  	s0 =	sld [smem:$0x3F97];
	_ =	swait.ge [sflag:s4], $0x0  }
0x19: {  	s7 =	sld [smem:$0x3F98]  }
0x1a: {  	s8 =	sadd.s32 $0xFFFFE003, lr  }
0x1b: {  	s9 =	sadd.s32 $0xFFFFFEF7, lr;
	s5 =	simm.s32 $0xFFFFFFFF;
	p2 =	slt.u32 s8, $0xFFFFF086  }
0x1c: {  	p1 =	slt.u32 s9, $0xF7A;
	s5 =	simm.s32 @!p2 $0x0  }
0x1d: {  	s5 =	simm.s32 @p1 $0x1;
	p0 =	seq.s32 s7, s2  }
0x1e: {  	s7 =	smul.u32 @!p0 $0xF7A, s2;
	p2 =	seq.s32 @!p0 s5, $0x0  }
0x1f: {  	s9 =	smul.u32 $0xF7A, s1;
	s8 =	simm.s32 @!p0 $0x1BF5;
	p2 =	por !p2, p0  }
0x20: {  	[sflag:s8] =	ssyncset.s32 @!p0 $0xFFFFF086;
	s6 =	sadd.s32 @!p0 s3, s7;
	s7 =	simm.s32 @!p0 $0x108  }
0x21: {  	s3 =	sadd.s32 s3, s9;
	s6 =	sadd.s32 @!p0 $0x88, s6;
	s7 =	simm.s32 @p2 $0x1082  }
0x22: {  	[simem:s7], [sflag:s8] =	dma.local @!p0 [hbm:s6], $0xF7A  }
0x23: {  	s9 =	sor.u32 $0xD0000000, s2;
	s6 =	simm.s32 $0x108;
	_ =	swait.ge @!p0 [sflag:s8], $0x0  }
0x24: {  	s3 =	sadd.s32 $0x88, s3;
	s6 =	simm.s32 @!p1 $0x1082;
	[sflag:s4] =	ssyncset.s32 $0xFFFFF086  }
0x25: {  	[simem:s6], [sflag:s4] =	dma.local [hbm:s3], $0xF7A  }
0x26: {  	[smem:$0x3F98] =	sst s1;
	(tag) =	ssettag s2;
	_ =	strace s9  }
0x27: {  	s1 =	sld [smem:$0x3FA8]  }
0x28: {  	s2 =	sld [smem:$0x3FA9]  }
0x29: {  	s4 =	sld [smem:$0x3FAB]  }
0x2a: {  	p0 =	seq.s32 s5, $0x0;
	s5 =	sld [smem:$0x3FAC]  }
0x2b: {  	s6 =	sld [smem:$0x3FAD]  }
0x2c: {  	s7 =	sld [smem:$0x3FAE]  }
0x2d: {  	s3 =	simm.s32 $0x108;
	s8 =	sld [smem:$0x3FAF]  }
0x2e: {  	s3 =	simm.s32 @!p0 $0x1082;
	s9 =	sld [smem:$0x3FB0]  }
0x2f: {  	lr =	sadd.s32 s0, s3;
	s0 =	sld [smem:$0x3FA7]  }
0x30: {  	s3 =	sld [smem:$0x3FAA]  }
0x31: {  	[smem:$0x3FB3] =	sst s10  }
0x32: {  	s10 =	sld [smem:$0x3FB1];
	_ =	sdelay $0x3  }
0x33: {  	p0 =	seq.s32 s10, $0x1;
	s10 =	sld [smem:$0x3FB3];
	_ =	sdelay $0x3  }
0x34: {  	[smem:$0x3FB3] =	sst s10  }
0x35: {  	s10 =	sld [smem:$0x3FB2];
	_ =	sdelay $0x3  }
0x36: {  	p1 =	seq.s32 s10, $0x1;
	s10 =	sld [smem:$0x3FB3];
	_ =	sdelay $0x3  }
0x37: {  	[smem:$0x3FB3] =	sst s10  }
0x38: {  	s10 =	sld [smem:$0x3FB4]  }
0x39: {  	_ = 	snop;
	(pc) =	sbr.ind lr, $3  }
0x3a: {  	_ = 	snop  }
0x3b: {  	_ = 	snop  }
0x3c: {  	p2 =	seq.s32 s10, $0x1;
	s10 =	sld [smem:$0x3FB3]  }
0x3d: {  	_ =	shalt  }
0x3e: {  	_ =	shalt  }
0x3f: {  	_ =	shalt  }
0x40: {  	_ =	shalt  }
0x41: {  	_ =	shalt  }
0x42: {  	_ =	shalt  }
0x43: {  	_ =	shalt  }
0x44: {  	_ =	shalt  }
0x45: {  	_ =	shalt  }
0x46: {  	_ =	shalt  }
0x47: {  	_ =	shalt  }
0x48: {  	_ =	shalt  }
0x49: {  	_ =	shalt  }
0x4a: {  	_ =	shalt  }
0x4b: {  	_ =	shalt  }
0x4c: {  	_ =	shalt  }
0x4d: {  	_ =	shalt  }
0x4e: {  	_ =	shalt  }
0x4f: {  	_ =	shalt  }
0x50: {  	_ =	shalt  }
0x51: {  	_ =	shalt  }
0x52: {  	_ =	shalt  }
0x53: {  	_ =	shalt  }
0x54: {  	_ =	shalt  }
0x55: {  	_ =	shalt  }
0x56: {  	_ =	shalt  }
0x57: {  	_ =	shalt  }
0x58: {  	_ =	shalt  }
0x59: {  	_ =	shalt  }
0x5a: {  	_ =	shalt  }
0x5b: {  	_ =	shalt  }
0x5c: {  	_ =	shalt  }
0x5d: {  	_ =	shalt  }
0x5e: {  	_ =	shalt  }
0x5f: {  	_ =	shalt  }
0x60: {  	_ =	shalt  }
0x61: {  	_ =	shalt  }
0x62: {  	_ =	shalt  }
0x63: {  	_ =	shalt  }
0x64: {  	_ =	shalt  }
0x65: {  	_ =	shalt  }
0x66: {  	_ =	shalt  }
0x67: {  	_ =	shalt  }
0x68: {  	_ =	shalt  }
0x69: {  	_ =	shalt  }
0x6a: {  	_ =	shalt  }
0x6b: {  	_ =	shalt  }
0x6c: {  	_ =	shalt  }
0x6d: {  	_ =	shalt  }
0x6e: {  	_ =	shalt  }
0x6f: {  	_ =	shalt  }
0x70: {  	_ =	shalt  }
0x71: {  	_ =	shalt  }
0x72: {  	_ =	shalt  }
0x73: {  	_ =	shalt  }
0x74: {  	_ =	shalt  }
0x75: {  	_ =	shalt  }
0x76: {  	_ =	shalt  }
0x77: {  	_ =	shalt  }
0x78: {  	_ =	shalt  }
0x79: {  	_ =	shalt  }
0x7a: {  	_ =	shalt  }
0x7b: {  	_ =	shalt  }
0x7c: {  	_ =	shalt  }
0x7d: {  	_ =	shalt  }
0x7e: {  	_ =	shalt  }
0x7f: {  	_ =	shalt  }
0x80: {  	_ =	shalt  }
0x81: {  	_ =	shalt  }
0x82: {  	_ =	shalt  }
0x83: {  	_ =	shalt  }
0x84: {  	_ =	shalt  }
0x85: {  	_ =	shalt  }
0x86: {  	_ =	shalt  }
0x87: {  	_ =	shalt  }
.Lfunc_end0:
.L_simem_size_0:
called_computation_lowered:
.L_overlay_start_0:
0x88: {  	s2 =	sld [smem:$0x3FD9]  }
0x89: {  	s3 =	sld [smem:$0x3FFE];
	_ =	sdelay $0x1  }
0x8a: {  	s1 =	srdreg.scid  }
0x8b: {  	s0 =	sand.u32 $0x1, s1  }
0x8c: {  	s17 =	sshll.u32 s0, $0xA;
	s2 =	sadd.s32 s3, s2  }
0x8d: {  	s2 =	sadd.s32 s2, s17  }
0x8e: {  	[smem:$0x3FBF] =	sst s2  }
0x8f: {  	_ = 	snop  }
0x90: {  	s2 =	sld [smem:$0x3FD0];
	(tm) =	ssettm $0x1  }
0x91: {  	s18 =	sld [smem:$0x3FFB];
	_ =	sdelay $0x3  }
0x92: {  	_ =	strace s18  }
0x93: {  	s3 =	sld [smem:$0x3FFC];
	_ =	sdelay $0x3  }
0x94: {  	_ =	strace s3  }
0x95: {  	s3 =	sld [smem:$0x3FFD];
	_ =	sdelay $0x3  }
0x96: {  	_ =	strace s3  }
0x97: {  	_ =	strace $0x8FFFFFFF  }
0x98: {  	s19 =	sld [smem:$0x3FDB];
	_ =	sdelay $0x1  }
0x99: {  	s4 =	simm.s32 $_scs_section_size  }
0x9a: {  	s5 =	simm.s32 $_size__tile_overlayer_lowered;
	s6 =	simm.s32 $_tile_overlayer_lowered  }
0x9b: {  	s22 =	simm.s32 $0x1BFF;
	s21 =	sshll.u32 s6, $0x1;
	s3 =	sadd.s32 s4, s19  }
0x9c: {  	s7 =	simm.s32 $0x0;
	s20 =	sshll.u32 s5, $0x1;
	s5 =	sadd.s32 s21, s3  }
0x9d: {  	[timem:s7], [sflag:s22] =	dma.local [hbm:s5], s20  }
0x9e: {  	_ =	swait.ge [sflag:s22], s20  }
0x9f: {  	s4 =	ssub.s32 $0x0, s20;
	[sflag:s22] =	ssyncset.done $0x0  }
0xa0: {  	[sflag:s22] =	ssyncadd.s32 s4;
	_ =	sdelay $0x1  }
0xa1: {  	s23 =	simm.s32 $0x1B8B  }
0xa2: {  	_ =	swait.ge [sflag:s23], $0x1  }
0xa3: {  	[sflag:s23] =	ssyncset.done $0x0  }
0xa4: {  	s25 =	simm.s32 $0x1B8E;
	s24 =	sld [smem:$0x3FFE];
	[sflag:s23] =	ssyncadd.s32 $0xFFFFFFFF  }
0xa5: {  	s26 =	simm.s32 $execute0_lowered;
	[smem:$0x3FD2] =	sst s25  }
0xa6: {  	s5 =	sshll.u32 s26, $0x1;
	_ =	strace $0x80000046;
	[dreg:$0x1] =	wrdreg $0xFFFFFFFF  }
0xa7: {  	s28 =	simm.s32 $_size_execute0_lowered;
	s3 =	sadd.s32 s3, s5;
	[dreg:$0x0] =	wrdreg $0x0  }
0xa8: {  	s5 =	sshll.u32 s28, $0x1;
	[dreg:$0x2] =	wrdreg s3  }
0xa9: {  	[dreg:$0x3] =	wrdreg s5  }
0xaa: {  	[dreg:$0x4] =	wrdreg $0xC0  }
0xab: {  	_ =	task [dreg:s7], $0x5FFFF  }
0xac: {  	[dreg:$0x1] =	wrdreg $0xFFFFFFFF  }
0xad: {  	[dreg:$0x0] =	wrdreg $0x60  }
0xae: {  	[dreg:$0x2] =	wrdreg s2  }
0xaf: {  	[dreg:$0x3] =	wrdreg s24  }
0xb0: {  	[dreg:$0x4] =	wrdreg $0x9  }
0xb1: {  	_ =	task.clear_ibuf [dreg:s7], $0x5FFFF;
	_ =	strace $0x90000046  }
0xb2: {  	s29 =	simm.s32 $0x9;
	_ =	strace $0x80000048  }
0xb3: {  	_ =	swait.ge [sflag:s29], $0x1  }
0xb4: {  	[sflag:s29] =	ssyncadd.s32 $0xFFFFFFFF  }
0xb5: {  	_ =	strace $0x90000048  }
0xb6: {  	_ =	sfence  }
0xb7: {  	s30 =	sld [smem:$0x0];
	_ =	sdelay $0x2  }
0xb8: {  	s31 =	sshll.u32 s1, $0xD;
	s1 =	sshrl.u32 s1, $0x2  }
0xb9: {  	s3 =	sand.u32 $0x4000, s31;
	s1 =	sadd.s32 s1, s30  }
0xba: {  	s0 =	sor.u32 s3, s0;
	s1 =	sshll.u32 s1, $0x11  }
0xbb: {  	s0 =	sor.u32 s1, s0  }
0xbc: {  	s0 =	sadd.s32 $0x8F2B, s0  }
0xbd: {  	[sflag:s0] =	ssyncadd.remote.s32 $0x1  }
0xbe: {  	_ =	sfence.sel $0xFFFF  }
0xbf: {  	[dreg:$0x0] =	wrdreg $0xFFFFFFFF;
	(pc) =	sbr.abs _section_cstart, $3  }
0xc0: {  	[dreg:$0x1] =	wrdreg $0xFFFFFFFF  }
0xc1: {  	_ =	task.clear_ibuf [dreg:s7], $0x2FFFF;
	_ =	strace $0x9FFFFFFF  }
0xc2: {  	(tm) =	ssettm $0x7FFFFFFF  }
0xc3: {  	_ =	shalt  }
tec
execute0_lowered:
.L_overlay_start_1:
0x0: {  	(tag) =	ssettag $0x1  }
0x1: {  	s0 =	srdreg.scid;
	s2 =	rddreg [dreg:$0x0]  }
0x2: {  	s5 =	rddreg [dreg:$0x1];
	s3 =	simm.s32 $0x0;
	s4 =	sand.u32 $0x1, s0  }
0x3: {  	s9 =	simm.s32 $0x2900;
	s0 =	stileid.u32;
	s1 =	sshll.u32 s4, $0x4  }
0x4: {  	s10 =	simm.s32 $0x80;
	s11 =	simm.s32 $0x400;
	s6 =	sor.u32 s0, s1  }
0x5: {  	s12 =	simm.s32 $0x0;
	[smem:$0x7FF] =	sst s3;
	s7 =	sshrl.u32 s6, $0x3  }
0x6: {  	s8 =	sshll.u32 s0, $0x7;
	s4 =	ssub.s32 $0x2, s4;
	s7 =	smul.u32 $0xA0000, s7  }
0x7: {  	s1 =	rddreg [dreg:$0x2];
	s8 =	sand.u32 $0x380, s8;
	s6 =	smul.u32 $0x500, s6  }
0x8: {  	_ =	strace $0x80000047;
	s30 =	sshrl.u32 s4, $0x1;
	s7 =	sor.u32 s8, s7  }
0x9: {  	s31 =	ssub.s32 s4, s30;
	s6 =	sadd.s32 s6, s5;
	s7 =	sshrl.u32 s7, $0x3  }
0xa: {  	s4 =	sadd.s32 $0x3C00, s6;
	s6 =	smax.u32 s31, $0x1;
	s5 =	sadd.s32 s7, s5  }
0xb: {  	v0 =	vimm.f32 $0.0e+00;
	v1 =	vimm.f32 $1.000000000e+00;
	s8 =	simm.s32 $0x2800;
	s7 =	simm.s32 $0x1;
	s5 =	sadd.s32 $0xDC00, s5  }
.LBB2_1:
0xc: {  	[tilespmem:s3], [sflag:$0x1] =	stream.linear.gather [hbm4b:s4+s3], $0x2780, $0x38;
	[tilespmem:$0x16900] =	vst v63  }
0xd: {  	_ =	swait.ge [sflag:s7], $0x2780  }
0xe: {  	[sflag:s7] =	ssyncset.done $0x0  }
0xf: {  	[sflag:s7] =	ssyncadd.s32 $0xFFFFD880  }
0x10: {  	[tilespmem:s8], [sflag:$0x1] =	stream.linear.gather [hbm4b:s2+s3], $0x100, $0x38;
	[tilespmem:$0x16900] =	vst v63  }
0x11: {  	_ =	swait.ge [sflag:s7], $0x100  }
0x12: {  	[sflag:s7] =	ssyncset.done $0x0  }
0x13: {  	s13 =	simm.s32 $0x40;
	s14 =	simm.s32 $0x0;
	[sflag:s7] =	ssyncadd.s32 $0xFFFFFF00  }
.LBB2_2:
0x14: {  	p0 =	sne.s32 s13, $0x4FFC0;
	[tilespmem:s14+$0x2900] =	vst v0;
	s14 =	smov.u32 s13;
	s13 =	sadd.s32 $0x40, s13  }
.Ltmp0:
0x15: {  	(pc) =	sbr.rel @p0 .LBB2_2-.Ltmp0, $2  }
0x16: {  	_ =	sdelay $0x2  }
0x17: {  	s14 =	sshra.s32 s14, $0x2  }
0x18: {  	[tilespmem:s14+$0x2900] =	vst v0  }
0x19: {  	v3 =	vld [tilespmem:$0x2800];
	_ =	sdelay $0x4  }
0x1a: {  	s13 =	simm.s32 $0x1C0;
	v2 =	vld [tilespmem:$0x2880];
	vm0 =	vgt.s32 v3, $0x7;
	vm1 =	vlt.s32 v3, $0x8  }
.LBB2_4:
0x1b: {  	s14 =	sshra.s32 s13, $0x2  }
0x1c: {  	v3 =	vld [tilespmem:s14+$0xFFFFFF90];
	_ =	sdelay $0x4  }
0x1d: {  	v3 =	vshll.u32 v3, $0x3  }
0x1e: {  	v3 =	vadd.s32 v2, v3;
	_ =	sdelay $0x4  }
0x1f: {  	[tilespmem:v3+s9+$0x0] =	vst.idx.add.f32.msk vm1, v1  }
0x20: {  	[tilespmem:v3+s9+$0x0] =	vst.idx.add.f32.msk vm0, v1  }
0x21: {  	v3 =	vld [tilespmem:s14+$0xFFFFFFA0];
	_ =	sdelay $0x4  }
0x22: {  	v3 =	vshll.u32 v3, $0x3  }
0x23: {  	v3 =	vadd.s32 v2, v3;
	_ =	sdelay $0x4  }
0x24: {  	[tilespmem:v3+s9+$0x0] =	vst.idx.add.f32.msk vm1, v1  }
0x25: {  	[tilespmem:v3+s9+$0x0] =	vst.idx.add.f32.msk vm0, v1  }
0x26: {  	v3 =	vld [tilespmem:s14+$0xFFFFFFB0];
	_ =	sdelay $0x4  }
0x27: {  	v3 =	vshll.u32 v3, $0x3  }
0x28: {  	v3 =	vadd.s32 v2, v3;
	_ =	sdelay $0x4  }
0x29: {  	[tilespmem:v3+s9+$0x0] =	vst.idx.add.f32.msk vm1, v1  }
0x2a: {  	[tilespmem:v3+s9+$0x0] =	vst.idx.add.f32.msk vm0, v1  }
0x2b: {  	v3 =	vld [tilespmem:s14+$0xFFFFFFC0];
	_ =	sdelay $0x4  }
0x2c: {  	v3 =	vshll.u32 v3, $0x3  }
0x2d: {  	v3 =	vadd.s32 v2, v3;
	_ =	sdelay $0x4  }
0x2e: {  	[tilespmem:v3+s9+$0x0] =	vst.idx.add.f32.msk vm1, v1  }
0x2f: {  	[tilespmem:v3+s9+$0x0] =	vst.idx.add.f32.msk vm0, v1  }
0x30: {  	v3 =	vld [tilespmem:s14+$0xFFFFFFD0];
	_ =	sdelay $0x4  }
0x31: {  	v3 =	vshll.u32 v3, $0x3  }
0x32: {  	v3 =	vadd.s32 v2, v3;
	_ =	sdelay $0x4  }
0x33: {  	[tilespmem:v3+s9+$0x0] =	vst.idx.add.f32.msk vm1, v1  }
0x34: {  	[tilespmem:v3+s9+$0x0] =	vst.idx.add.f32.msk vm0, v1  }
0x35: {  	v3 =	vld [tilespmem:s14+$0xFFFFFFE0];
	_ =	sdelay $0x4  }
0x36: {  	v3 =	vshll.u32 v3, $0x3  }
0x37: {  	v3 =	vadd.s32 v2, v3;
	_ =	sdelay $0x4  }
0x38: {  	[tilespmem:v3+s9+$0x0] =	vst.idx.add.f32.msk vm1, v1  }
0x39: {  	[tilespmem:v3+s9+$0x0] =	vst.idx.add.f32.msk vm0, v1  }
0x3a: {  	v3 =	vld [tilespmem:s14+$0xFFFFFFF0];
	_ =	sdelay $0x4  }
0x3b: {  	v3 =	vshll.u32 v3, $0x3  }
0x3c: {  	v3 =	vadd.s32 v2, v3;
	_ =	sdelay $0x4  }
0x3d: {  	[tilespmem:v3+s9+$0x0] =	vst.idx.add.f32.msk vm1, v1  }
0x3e: {  	[tilespmem:v3+s9+$0x0] =	vst.idx.add.f32.msk vm0, v1  }
0x3f: {  	v3 =	vld [tilespmem:s14+$0x0];
	_ =	sdelay $0x4  }
0x40: {  	v3 =	vshll.u32 v3, $0x3  }
0x41: {  	v3 =	vadd.s32 v2, v3  }
0x42: {  	p0 =	sne.s32 s13, $0x9DC0  }
.Ltmp1:
0x43: {  	_ = 	snop;
	(pc) =	sbr.rel @p0 .LBB2_4-.Ltmp1, $3  }
0x44: {  	_ =	sdelay $0x1  }
0x45: {  	[tilespmem:v3+s9+$0x0] =	vst.idx.add.f32.msk vm1, v1  }
0x46: {  	s13 =	sadd.s32 $0x200, s13;
	[tilespmem:v3+s9+$0x0] =	vst.idx.add.f32.msk vm0, v1  }
0x47: {  	s12 =	sadd.s32 $0x1, s12  }
0x48: {  	p0 =	sne.s32 s12, s6  }
.Ltmp2:
0x49: {  	_ = 	snop;
	(pc) =	sbr.rel @p0 .LBB2_1-.Ltmp2, $4  }
0x4a: {  	[hbm4b:s5+s10] =	stream.strided.scatter [tilespmem:s9], [sflag:$0x1], $0x14000, s11, s10, $0x38;
	[tilespmem:$0x16900] =	vst v63  }
0x4b: {  	_ =	swait.ge [sflag:s7], $0x14000  }
0x4c: {  	[sflag:s7] =	ssyncset.done $0x0  }
0x4d: {  	[sflag:s7] =	ssyncadd.s32 $0xFFFEC000  }
0x4e: {  	_ =	sfence.sel $0x180000  }
0x4f: {  	[bflag:$0x0] =	sbarrier.arrive $0xFFFF  }
0x50: {  	p0 =	sne.s32 s0, $0x0;
	_ =	strace $0x90000047  }
0x51: {  	s0 =	sadd.s32 @!p0 $0x100000, s1;
	[bflag:$0x2] =	sbarrier.arrive $0xFFFF  }
0x52: {  	[sflag:s0] =	ssyncadd.tile.s32 @!p0 $0x1;
	_ =	shalt  }
.Lfunc_end2:
_tile_overlayer_lowered:
.L_overlay_start_2:
0x53: {  	(tag) =	ssettag $0x2  }
0x54: {  	s0 =	rddreg [dreg:$0x0];
	s2 =	stileid.u32  }
0x55: {  	s1 =	rddreg [dreg:$0x1];
	p0 =	sne.s32 s2, $0x0  }
0x56: {  	s3 =	rddreg [dreg:$0x2];
	[bflag:$0x3] =	sbarrier.arrive $0xFFFF;
	s2 =	simm.s32 @!p0 $0x1C01  }
0x57: {  	[timem:s3], [sflag:s2] =	dma.local @!p0 [hbm:s0], s1  }
0x58: {  	s0 =	simm.s32 @!p0 $0x1  }
0x59: {  	_ =	swait.ge @!p0 [sflag:s0], s1  }
0x5a: {  	s1 =	ssub.s32 @!p0 $0x0, s1;
	[sflag:s0] =	ssyncset.done @!p0 $0x0  }
0x5b: {  	[sflag:s0] =	ssyncadd.s32 @!p0 s1  }
0x5c: {  	[bflag:$0x3] =	sbarrier.arrive $0xFFFF  }
0x5d: {  	_ =	shalt  }

// kernel: kernel.13.cloned.1.call-start
scs
__scs_entry_jumppad:
0x0: {  	(pc) =	sbr.rel $0x88, $3  }
0x1: {  	(tag) =	ssettag $0x0;
	lr =	simm.s32 $0x1  }
0x2: {  	[smem:$0x3F98] =	sst lr;
	_ =	strace $0xD0000000  }
0x3: {  	_ = 	snop  }
0x4: {  	_ = 	snop  }
0x5: {  	_ = 	snop  }
0x6: {  	_ = 	snop  }
0x7: {  	_ = 	snop  }
__scs_overlays_trampoline_lowered:
0x8: {  	[smem:$0x3FA7] =	sst s0  }
0x9: {  	[smem:$0x3FA8] =	sst s1  }
0xa: {  	[smem:$0x3FA9] =	sst s2  }
0xb: {  	[smem:$0x3FAA] =	sst s3  }
0xc: {  	[smem:$0x3FAB] =	sst s4  }
0xd: {  	[smem:$0x3FAC] =	sst s5  }
0xe: {  	[smem:$0x3FAD] =	sst s6  }
0xf: {  	[smem:$0x3FAE] =	sst s7  }
0x10: {  	[smem:$0x3FAF] =	sst s8  }
0x11: {  	[smem:$0x3FB0] =	sst s9;
	s0 =	simm.s32 @!p0 $0x0  }
0x12: {  	s1 =	sld [smem:$0x3F96];
	s0 =	simm.s32 @p0 $0x1  }
0x13: {  	[smem:$0x3FB1] =	sst s0;
	s0 =	simm.s32 @!p1 $0x0  }
0x14: {  	s2 =	sld [smem:$0x3F95];
	s0 =	simm.s32 @p1 $0x1  }
0x15: {  	[smem:$0x3FB2] =	sst s0;
	s0 =	simm.s32 @!p2 $0x0  }
0x16: {  	s3 =	sld [smem:$0x3FDB];
	s0 =	simm.s32 @p2 $0x1  }
0x17: {  	s4 =	simm.s32 $0x1BF5;
	[smem:$0x3FB4] =	sst s0  }
0x18: {  	s0 =	sld [smem:$0x3F97];
	_ =	swait.ge [sflag:s4], $0x0  }
0x19: {  	s7 =	sld [smem:$0x3F98]  }
0x1a: {  	s8 =	sadd.s32 $0xFFFFE003, lr  }
0x1b: {  	s9 =	sadd.s32 $0xFFFFFEF7, lr;
	s5 =	simm.s32 $0xFFFFFFFF;
	p2 =	slt.u32 s8, $0xFFFFF086  }
0x1c: {  	p1 =	slt.u32 s9, $0xF7A;
	s5 =	simm.s32 @!p2 $0x0  }
0x1d: {  	s5 =	simm.s32 @p1 $0x1;
	p0 =	seq.s32 s7, s2  }
0x1e: {  	s7 =	smul.u32 @!p0 $0xF7A, s2;
	p2 =	seq.s32 @!p0 s5, $0x0  }
0x1f: {  	s9 =	smul.u32 $0xF7A, s1;
	s8 =	simm.s32 @!p0 $0x1BF5;
	p2 =	por !p2, p0  }
0x20: {  	[sflag:s8] =	ssyncset.s32 @!p0 $0xFFFFF086;
	s6 =	sadd.s32 @!p0 s3, s7;
	s7 =	simm.s32 @!p0 $0x108  }
0x21: {  	s3 =	sadd.s32 s3, s9;
	s6 =	sadd.s32 @!p0 $0x88, s6;
	s7 =	simm.s32 @p2 $0x1082  }
0x22: {  	[simem:s7], [sflag:s8] =	dma.local @!p0 [hbm:s6], $0xF7A  }
0x23: {  	s9 =	sor.u32 $0xD0000000, s2;
	s6 =	simm.s32 $0x108;
	_ =	swait.ge @!p0 [sflag:s8], $0x0  }
0x24: {  	s3 =	sadd.s32 $0x88, s3;
	s6 =	simm.s32 @!p1 $0x1082;
	[sflag:s4] =	ssyncset.s32 $0xFFFFF086  }
0x25: {  	[simem:s6], [sflag:s4] =	dma.local [hbm:s3], $0xF7A  }
0x26: {  	[smem:$0x3F98] =	sst s1;
	(tag) =	ssettag s2;
	_ =	strace s9  }
0x27: {  	s1 =	sld [smem:$0x3FA8]  }
0x28: {  	s2 =	sld [smem:$0x3FA9]  }
0x29: {  	s4 =	sld [smem:$0x3FAB]  }
0x2a: {  	p0 =	seq.s32 s5, $0x0;
	s5 =	sld [smem:$0x3FAC]  }
0x2b: {  	s6 =	sld [smem:$0x3FAD]  }
0x2c: {  	s7 =	sld [smem:$0x3FAE]  }
0x2d: {  	s3 =	simm.s32 $0x108;
	s8 =	sld [smem:$0x3FAF]  }
0x2e: {  	s3 =	simm.s32 @!p0 $0x1082;
	s9 =	sld [smem:$0x3FB0]  }
0x2f: {  	lr =	sadd.s32 s0, s3;
	s0 =	sld [smem:$0x3FA7]  }
0x30: {  	s3 =	sld [smem:$0x3FAA]  }
0x31: {  	[smem:$0x3FB3] =	sst s10  }
0x32: {  	s10 =	sld [smem:$0x3FB1];
	_ =	sdelay $0x3  }
0x33: {  	p0 =	seq.s32 s10, $0x1;
	s10 =	sld [smem:$0x3FB3];
	_ =	sdelay $0x3  }
0x34: {  	[smem:$0x3FB3] =	sst s10  }
0x35: {  	s10 =	sld [smem:$0x3FB2];
	_ =	sdelay $0x3  }
0x36: {  	p1 =	seq.s32 s10, $0x1;
	s10 =	sld [smem:$0x3FB3];
	_ =	sdelay $0x3  }
0x37: {  	[smem:$0x3FB3] =	sst s10  }
0x38: {  	s10 =	sld [smem:$0x3FB4]  }
0x39: {  	_ = 	snop;
	(pc) =	sbr.ind lr, $3  }
0x3a: {  	_ = 	snop  }
0x3b: {  	_ = 	snop  }
0x3c: {  	p2 =	seq.s32 s10, $0x1;
	s10 =	sld [smem:$0x3FB3]  }
0x3d: {  	_ =	shalt  }
0x3e: {  	_ =	shalt  }
0x3f: {  	_ =	shalt  }
0x40: {  	_ =	shalt  }
0x41: {  	_ =	shalt  }
0x42: {  	_ =	shalt  }
0x43: {  	_ =	shalt  }
0x44: {  	_ =	shalt  }
0x45: {  	_ =	shalt  }
0x46: {  	_ =	shalt  }
0x47: {  	_ =	shalt  }
0x48: {  	_ =	shalt  }
0x49: {  	_ =	shalt  }
0x4a: {  	_ =	shalt  }
0x4b: {  	_ =	shalt  }
0x4c: {  	_ =	shalt  }
0x4d: {  	_ =	shalt  }
0x4e: {  	_ =	shalt  }
0x4f: {  	_ =	shalt  }
0x50: {  	_ =	shalt  }
0x51: {  	_ =	shalt  }
0x52: {  	_ =	shalt  }
0x53: {  	_ =	shalt  }
0x54: {  	_ =	shalt  }
0x55: {  	_ =	shalt  }
0x56: {  	_ =	shalt  }
0x57: {  	_ =	shalt  }
0x58: {  	_ =	shalt  }
0x59: {  	_ =	shalt  }
0x5a: {  	_ =	shalt  }
0x5b: {  	_ =	shalt  }
0x5c: {  	_ =	shalt  }
0x5d: {  	_ =	shalt  }
0x5e: {  	_ =	shalt  }
0x5f: {  	_ =	shalt  }
0x60: {  	_ =	shalt  }
0x61: {  	_ =	shalt  }
0x62: {  	_ =	shalt  }
0x63: {  	_ =	shalt  }
0x64: {  	_ =	shalt  }
0x65: {  	_ =	shalt  }
0x66: {  	_ =	shalt  }
0x67: {  	_ =	shalt  }
0x68: {  	_ =	shalt  }
0x69: {  	_ =	shalt  }
0x6a: {  	_ =	shalt  }
0x6b: {  	_ =	shalt  }
0x6c: {  	_ =	shalt  }
0x6d: {  	_ =	shalt  }
0x6e: {  	_ =	shalt  }
0x6f: {  	_ =	shalt  }
0x70: {  	_ =	shalt  }
0x71: {  	_ =	shalt  }
0x72: {  	_ =	shalt  }
0x73: {  	_ =	shalt  }
0x74: {  	_ =	shalt  }
0x75: {  	_ =	shalt  }
0x76: {  	_ =	shalt  }
0x77: {  	_ =	shalt  }
0x78: {  	_ =	shalt  }
0x79: {  	_ =	shalt  }
0x7a: {  	_ =	shalt  }
0x7b: {  	_ =	shalt  }
0x7c: {  	_ =	shalt  }
0x7d: {  	_ =	shalt  }
0x7e: {  	_ =	shalt  }
0x7f: {  	_ =	shalt  }
0x80: {  	_ =	shalt  }
0x81: {  	_ =	shalt  }
0x82: {  	_ =	shalt  }
0x83: {  	_ =	shalt  }
0x84: {  	_ =	shalt  }
0x85: {  	_ =	shalt  }
0x86: {  	_ =	shalt  }
0x87: {  	_ =	shalt  }
.Lfunc_end0:
.L_simem_size_0:
called_computation.1_lowered:
.L_overlay_start_0:
0x88: {  	s2 =	sld [smem:$0x3FD9]  }
0x89: {  	s3 =	sld [smem:$0x3FFE];
	_ =	sdelay $0x1  }
0x8a: {  	s1 =	srdreg.scid  }
0x8b: {  	s0 =	sand.u32 $0x1, s1  }
0x8c: {  	s16 =	sshll.u32 s0, $0xA;
	s2 =	sadd.s32 s3, s2  }
0x8d: {  	s2 =	sadd.s32 s2, s16  }
0x8e: {  	[smem:$0x3FBF] =	sst s2  }
0x8f: {  	_ = 	snop  }
0x90: {  	(tm) =	ssettm $0x1  }
0x91: {  	s17 =	sld [smem:$0x3FFB];
	_ =	sdelay $0x3  }
0x92: {  	_ =	strace s17  }
0x93: {  	s2 =	sld [smem:$0x3FFC];
	_ =	sdelay $0x3  }
0x94: {  	_ =	strace s2  }
0x95: {  	s2 =	sld [smem:$0x3FFD];
	_ =	sdelay $0x3  }
0x96: {  	_ =	strace s2  }
0x97: {  	_ =	strace $0x8FFFFFFF  }
0x98: {  	s18 =	sld [smem:$0x3FDB];
	_ =	sdelay $0x1  }
0x99: {  	s19 =	simm.s32 $_scs_section_size  }
0x9a: {  	s4 =	simm.s32 $_size__tile_overlayer_lowered;
	s5 =	simm.s32 $_tile_overlayer_lowered  }
0x9b: {  	s22 =	simm.s32 $0x1BFF;
	s21 =	sshll.u32 s5, $0x1;
	s2 =	sadd.s32 s19, s18  }
0x9c: {  	s6 =	simm.s32 $0x0;
	s20 =	sshll.u32 s4, $0x1;
	s4 =	sadd.s32 s21, s2  }
0x9d: {  	[timem:s6], [sflag:s22] =	dma.local [hbm:s4], s20  }
0x9e: {  	_ =	swait.ge [sflag:s22], s20  }
0x9f: {  	s3 =	ssub.s32 $0x0, s20;
	[sflag:s22] =	ssyncset.done $0x0  }
0xa0: {  	[sflag:s22] =	ssyncadd.s32 s3;
	_ =	sdelay $0x1  }
0xa1: {  	s23 =	simm.s32 $0x1B8B  }
0xa2: {  	_ =	swait.ge [sflag:s23], $0x1  }
0xa3: {  	[sflag:s23] =	ssyncset.done $0x0  }
0xa4: {  	s25 =	simm.s32 $0x1B8E;
	s24 =	sld [smem:$0x3FFE];
	[sflag:s23] =	ssyncadd.s32 $0xFFFFFFFF  }
0xa5: {  	s26 =	simm.s32 $execute0_lowered;
	[smem:$0x3FD2] =	sst s25  }
0xa6: {  	s4 =	sshll.u32 s26, $0x1;
	_ =	strace $0x80000049;
	[dreg:$0x1] =	wrdreg $0xFFFFFFFF  }
0xa7: {  	s28 =	simm.s32 $_size_execute0_lowered;
	s2 =	sadd.s32 s2, s4;
	[dreg:$0x0] =	wrdreg $0x0  }
0xa8: {  	s4 =	sshll.u32 s28, $0x1;
	[dreg:$0x2] =	wrdreg s2  }
0xa9: {  	[dreg:$0x3] =	wrdreg s4  }
0xaa: {  	[dreg:$0x4] =	wrdreg $0xC0  }
0xab: {  	_ =	task [dreg:s6], $0x5FFFF  }
0xac: {  	[dreg:$0x1] =	wrdreg $0xFFFFFFFF  }
0xad: {  	[dreg:$0x0] =	wrdreg $0x60  }
0xae: {  	[dreg:$0x2] =	wrdreg s24  }
0xaf: {  	[dreg:$0x3] =	wrdreg $0x90000  }
0xb0: {  	[dreg:$0x4] =	wrdreg $0x9  }
0xb1: {  	_ =	task.clear_ibuf [dreg:s6], $0x5FFFF;
	_ =	strace $0x90000049  }
0xb2: {  	s29 =	simm.s32 $0x9;
	_ =	strace $0x8000004B  }
0xb3: {  	_ =	swait.ge [sflag:s29], $0x1  }
0xb4: {  	[sflag:s29] =	ssyncadd.s32 $0xFFFFFFFF  }
0xb5: {  	_ =	strace $0x9000004B  }
0xb6: {  	_ =	sfence  }
0xb7: {  	s30 =	sld [smem:$0x0];
	_ =	sdelay $0x2  }
0xb8: {  	s31 =	sshll.u32 s1, $0xD;
	s1 =	sshrl.u32 s1, $0x2  }
0xb9: {  	s3 =	sand.u32 $0x4000, s31;
	s1 =	sadd.s32 s1, s30  }
0xba: {  	s0 =	sor.u32 s3, s0;
	s1 =	sshll.u32 s1, $0x11  }
0xbb: {  	s0 =	sor.u32 s1, s0  }
0xbc: {  	s0 =	sadd.s32 $0x8F2B, s0  }
0xbd: {  	[sflag:s0] =	ssyncadd.remote.s32 $0x1  }
0xbe: {  	_ =	sfence.sel $0xFFFF  }
0xbf: {  	[dreg:$0x0] =	wrdreg $0xFFFFFFFF;
	(pc) =	sbr.abs _section_cstart, $3  }
0xc0: {  	[dreg:$0x1] =	wrdreg $0xFFFFFFFF  }
0xc1: {  	_ =	task.clear_ibuf [dreg:s6], $0x2FFFF;
	_ =	strace $0x9FFFFFFF  }
0xc2: {  	(tm) =	ssettm $0x7FFFFFFF  }
0xc3: {  	_ =	shalt  }
tec
execute0_lowered:
.L_overlay_start_1:
0x0: {  	(tag) =	ssettag $0x1  }
0x1: {  	s0 =	srdreg.scid;
	s5 =	rddreg [dreg:$0x0]  }
0x2: {  	s1 =	rddreg [dreg:$0x1];
	s9 =	stileid.u32  }
0x3: {  	s2 =	simm.s32 $0x0;
	s12 =	simm.s32 $0x80;
	s13 =	simm.s32 $0x5000  }
0x4: {  	s14 =	simm.s32 $0x0;
	s6 =	sand.u32 $0x1, s0;
	s0 =	rddreg [dreg:$0x2]  }
0x5: {  	[smem:$0x7FF] =	sst s2;
	s4 =	sadd.s32 $0x67C00, s5;
	s3 =	sshll.u32 s6, $0x4  }
0x6: {  	p0 =	sne.s32 s9, $0x0;
	s8 =	smul.u32 $0x28000, s6;
	s3 =	sor.u32 s9, s3  }
0x7: {  	_ =	strace $0x8000004A;
	s6 =	ssub.s32 $0x2, s6;
	s7 =	smul.u32 $0x500, s3  }
0x8: {  	s11 =	sshrl.u32 @!p0 s1, $0x3;
	s31 =	sshrl.u32 s6, $0x1;
	s9 =	simm.s32 $0x1  }
0x9: {  	s3 =	sadd.s32 $0x35C00, s5;
	s8 =	sadd.s32 s8, s5;
	s7 =	sadd.s32 s7, s5  }
0xa: {  	s10 =	ssub.s32 s6, s31;
	s5 =	sadd.s32 $0x5DC00, s7;
	s6 =	sadd.s32 $0x3C00, s7  }
0xb: {  	s7 =	sadd.s32 $0x8FC00, s8;
	s8 =	smax.u32 s10, $0x1;
	s10 =	simm.s32 $0x2800  }
.LBB2_1:
0xc: {  	[tilespmem:s2], [sflag:$0x1] =	stream.linear.gather [hbm4b:s5+s2], $0x2780, $0x38;
	[tilespmem:$0x1D000] =	vst v63  }
0xd: {  	_ =	swait.ge [sflag:s9], $0x2780  }
0xe: {  	[sflag:s9] =	ssyncset.done $0x0  }
0xf: {  	[sflag:s9] =	ssyncadd.s32 $0xFFFFD880  }
0x10: {  	[tilespmem:s10], [sflag:$0x1] =	stream.linear.gather [hbm4b:s6+s2], $0x2780, $0x38;
	[tilespmem:$0x1D000] =	vst v63  }
0x11: {  	_ =	swait.ge [sflag:s9], $0x2780  }
0x12: {  	[sflag:s9] =	ssyncset.done $0x0  }
0x13: {  	s15 =	simm.s32 @!p0 $0x1C01;
	[sflag:s9] =	ssyncadd.s32 $0xFFFFD880  }
0x14: {  	[spmem:s11], [sflag:s15] =	dma.local @!p0 [hbm:s4], $0x28000  }
0x15: {  	s15 =	simm.s32 @!p0 $0x1  }
0x16: {  	_ =	swait.ge @!p0 [sflag:s15], $0x28000  }
0x17: {  	[sflag:s15] =	ssyncset.done @!p0 $0x0  }
0x18: {  	[sflag:s15] =	ssyncadd.s32 @!p0 $0xFFFD8000  }
0x19: {  	s30 =	simm.s32 $0x0;
	[bflag:$0x0] =	sbarrier.arrive $0xFFFF  }
0x1a: {  	[tilespmem:s13], [sflag:$0x1] =	stream.indirect.gather [hbm4b:s3+s12], $0x80, s30, s12, $0xb8;
	[tilespmem:$0x1D000] =	vst v63  }
0x1b: {  	_ =	swait.ge [sflag:s9], $0x4000  }
0x1c: {  	[sflag:s9] =	ssyncset.done $0x0  }
0x1d: {  	s31 =	simm.s32 $0x2800;
	[sflag:s9] =	ssyncadd.s32 $0xFFFFC000  }
0x1e: {  	[spmem:s1] =	stream.indirect.scatter.add.f32 [tilespmem:s13], [sflag:$0x1], $0x80, s31, s12, $0xb8;
	[tilespmem:$0x1D000] =	vst v63  }
0x1f: {  	_ =	swait.ge [sflag:s9], $0x4000  }
0x20: {  	s16 =	simm.s32 $0x400;
	s15 =	simm.s32 $0x200;
	[sflag:s9] =	ssyncset.done $0x0  }
.LBB2_2:
0x21: {  	s17 =	sshra.s32 s15, $0x2  }
0x22: {  	[sflag:s9] =	ssyncadd.s32 $0xFFFFC000;
	s15 =	smov.u32 s16;
	s18 =	sadd.s32 $0x200, s16  }
0x23: {  	[tilespmem:s13], [sflag:$0x1] =	stream.indirect.gather [hbm4b:s3+s12], $0x80, s17, s12, $0xb8;
	[tilespmem:$0x1D000] =	vst v63  }
0x24: {  	p1 =	sne.s32 s16, $0x9C00;
	_ =	swait.ge [sflag:s9], $0x4000  }
.Ltmp0:
0x25: {  	[sflag:s9] =	ssyncset.done $0x0;
	(pc) =	sbr.rel @p1 .LBB2_2-.Ltmp0, $4  }
0x26: {  	s16 =	sadd.s32 $0x2800, s17;
	[sflag:s9] =	ssyncadd.s32 $0xFFFFC000  }
0x27: {  	[spmem:s1] =	stream.indirect.scatter.add.f32 [tilespmem:s13], [sflag:$0x1], $0x80, s16, s12, $0xb8;
	[tilespmem:$0x1D000] =	vst v63  }
0x28: {  	_ =	swait.ge [sflag:s9], $0x4000  }
0x29: {  	s16 =	smov.u32 s18;
	[sflag:s9] =	ssyncset.done $0x0  }
0x2a: {  	s15 =	sshra.s32 s15, $0x2;
	[sflag:s9] =	ssyncadd.s32 $0xFFFFC000  }
0x2b: {  	[tilespmem:s13], [sflag:$0x1] =	stream.indirect.gather [hbm4b:s3+s12], $0x80, s15, s12, $0xb8;
	[tilespmem:$0x1D000] =	vst v63  }
0x2c: {  	_ =	swait.ge [sflag:s9], $0x4000  }
0x2d: {  	[sflag:s9] =	ssyncset.done $0x0  }
0x2e: {  	s15 =	sadd.s32 $0x2800, s15;
	[sflag:s9] =	ssyncadd.s32 $0xFFFFC000  }
0x2f: {  	[spmem:s1] =	stream.indirect.scatter.add.f32 [tilespmem:s13], [sflag:$0x1], $0x80, s15, s12, $0xb8;
	[tilespmem:$0x1D000] =	vst v63  }
0x30: {  	_ =	swait.ge [sflag:s9], $0x4000  }
0x31: {  	[sflag:s9] =	ssyncset.done $0x0  }
0x32: {  	s14 =	sadd.s32 $0x1, s14;
	[sflag:s9] =	ssyncadd.s32 $0xFFFFC000  }
0x33: {  	p1 =	sne.s32 s14, s8;
	s15 =	simm.s32 @!p0 $0x1C01;
	[bflag:$0x0] =	sbarrier.arrive $0xFFFF  }
0x34: {  	[hbm:s7], [sflag:s15] =	dma.local @!p0 [spmem:s11], $0x28000  }
.Ltmp1:
0x35: {  	_ = 	snop;
	(pc) =	sbr.rel @p1 .LBB2_1-.Ltmp1, $4  }
0x36: {  	s15 =	simm.s32 @!p0 $0x1  }
0x37: {  	_ =	swait.ge @!p0 [sflag:s15], $0x28000  }
0x38: {  	[sflag:s15] =	ssyncset.done @!p0 $0x0  }
0x39: {  	[sflag:s15] =	ssyncadd.s32 @!p0 $0xFFFD8000  }
0x3a: {  	_ =	sfence.sel $0x180000  }
0x3b: {  	[bflag:$0x0] =	sbarrier.arrive $0xFFFF  }
0x3c: {  	_ =	strace $0x9000004A  }
0x3d: {  	s0 =	sadd.s32 @!p0 $0x100000, s0;
	[bflag:$0x2] =	sbarrier.arrive $0xFFFF  }
0x3e: {  	[sflag:s0] =	ssyncadd.tile.s32 @!p0 $0x1;
	_ =	shalt  }
.Lfunc_end2:
_tile_overlayer_lowered:
.L_overlay_start_2:
0x3f: {  	(tag) =	ssettag $0x2  }
0x40: {  	s0 =	rddreg [dreg:$0x0];
	s2 =	stileid.u32  }
0x41: {  	s1 =	rddreg [dreg:$0x1];
	p0 =	sne.s32 s2, $0x0  }
0x42: {  	s3 =	rddreg [dreg:$0x2];
	[bflag:$0x3] =	sbarrier.arrive $0xFFFF;
	s2 =	simm.s32 @!p0 $0x1C01  }
0x43: {  	[timem:s3], [sflag:s2] =	dma.local @!p0 [hbm:s0], s1  }
0x44: {  	s0 =	simm.s32 @!p0 $0x1  }
0x45: {  	_ =	swait.ge @!p0 [sflag:s0], s1  }
0x46: {  	s1 =	ssub.s32 @!p0 $0x0, s1;
	[sflag:s0] =	ssyncset.done @!p0 $0x0  }
0x47: {  	[sflag:s0] =	ssyncadd.s32 @!p0 s1  }
0x48: {  	[bflag:$0x3] =	sbarrier.arrive $0xFFFF  }
0x49: {  	_ =	shalt  }

// kernel: kernel.16.cloned.1.call-start
scs
__scs_entry_jumppad:
0x0: {  	(pc) =	sbr.rel $0x88, $3  }
0x1: {  	(tag) =	ssettag $0x0;
	lr =	simm.s32 $0x1  }
0x2: {  	[smem:$0x3F98] =	sst lr;
	_ =	strace $0xD0000000  }
0x3: {  	_ = 	snop  }
0x4: {  	_ = 	snop  }
0x5: {  	_ = 	snop  }
0x6: {  	_ = 	snop  }
0x7: {  	_ = 	snop  }
__scs_overlays_trampoline_lowered:
0x8: {  	[smem:$0x3FA7] =	sst s0  }
0x9: {  	[smem:$0x3FA8] =	sst s1  }
0xa: {  	[smem:$0x3FA9] =	sst s2  }
0xb: {  	[smem:$0x3FAA] =	sst s3  }
0xc: {  	[smem:$0x3FAB] =	sst s4  }
0xd: {  	[smem:$0x3FAC] =	sst s5  }
0xe: {  	[smem:$0x3FAD] =	sst s6  }
0xf: {  	[smem:$0x3FAE] =	sst s7  }
0x10: {  	[smem:$0x3FAF] =	sst s8  }
0x11: {  	[smem:$0x3FB0] =	sst s9;
	s0 =	simm.s32 @!p0 $0x0  }
0x12: {  	s1 =	sld [smem:$0x3F96];
	s0 =	simm.s32 @p0 $0x1  }
0x13: {  	[smem:$0x3FB1] =	sst s0;
	s0 =	simm.s32 @!p1 $0x0  }
0x14: {  	s2 =	sld [smem:$0x3F95];
	s0 =	simm.s32 @p1 $0x1  }
0x15: {  	[smem:$0x3FB2] =	sst s0;
	s0 =	simm.s32 @!p2 $0x0  }
0x16: {  	s3 =	sld [smem:$0x3FDB];
	s0 =	simm.s32 @p2 $0x1  }
0x17: {  	s4 =	simm.s32 $0x1BF5;
	[smem:$0x3FB4] =	sst s0  }
0x18: {  	s0 =	sld [smem:$0x3F97];
	_ =	swait.ge [sflag:s4], $0x0  }
0x19: {  	s7 =	sld [smem:$0x3F98]  }
0x1a: {  	s8 =	sadd.s32 $0xFFFFE003, lr  }
0x1b: {  	s9 =	sadd.s32 $0xFFFFFEF7, lr;
	s5 =	simm.s32 $0xFFFFFFFF;
	p2 =	slt.u32 s8, $0xFFFFF086  }
0x1c: {  	p1 =	slt.u32 s9, $0xF7A;
	s5 =	simm.s32 @!p2 $0x0  }
0x1d: {  	s5 =	simm.s32 @p1 $0x1;
	p0 =	seq.s32 s7, s2  }
0x1e: {  	s7 =	smul.u32 @!p0 $0xF7A, s2;
	p2 =	seq.s32 @!p0 s5, $0x0  }
0x1f: {  	s9 =	smul.u32 $0xF7A, s1;
	s8 =	simm.s32 @!p0 $0x1BF5;
	p2 =	por !p2, p0  }
0x20: {  	[sflag:s8] =	ssyncset.s32 @!p0 $0xFFFFF086;
	s6 =	sadd.s32 @!p0 s3, s7;
	s7 =	simm.s32 @!p0 $0x108  }
0x21: {  	s3 =	sadd.s32 s3, s9;
	s6 =	sadd.s32 @!p0 $0x88, s6;
	s7 =	simm.s32 @p2 $0x1082  }
0x22: {  	[simem:s7], [sflag:s8] =	dma.local @!p0 [hbm:s6], $0xF7A  }
0x23: {  	s9 =	sor.u32 $0xD0000000, s2;
	s6 =	simm.s32 $0x108;
	_ =	swait.ge @!p0 [sflag:s8], $0x0  }
0x24: {  	s3 =	sadd.s32 $0x88, s3;
	s6 =	simm.s32 @!p1 $0x1082;
	[sflag:s4] =	ssyncset.s32 $0xFFFFF086  }
0x25: {  	[simem:s6], [sflag:s4] =	dma.local [hbm:s3], $0xF7A  }
0x26: {  	[smem:$0x3F98] =	sst s1;
	(tag) =	ssettag s2;
	_ =	strace s9  }
0x27: {  	s1 =	sld [smem:$0x3FA8]  }
0x28: {  	s2 =	sld [smem:$0x3FA9]  }
0x29: {  	s4 =	sld [smem:$0x3FAB]  }
0x2a: {  	p0 =	seq.s32 s5, $0x0;
	s5 =	sld [smem:$0x3FAC]  }
0x2b: {  	s6 =	sld [smem:$0x3FAD]  }
0x2c: {  	s7 =	sld [smem:$0x3FAE]  }
0x2d: {  	s3 =	simm.s32 $0x108;
	s8 =	sld [smem:$0x3FAF]  }
0x2e: {  	s3 =	simm.s32 @!p0 $0x1082;
	s9 =	sld [smem:$0x3FB0]  }
0x2f: {  	lr =	sadd.s32 s0, s3;
	s0 =	sld [smem:$0x3FA7]  }
0x30: {  	s3 =	sld [smem:$0x3FAA]  }
0x31: {  	[smem:$0x3FB3] =	sst s10  }
0x32: {  	s10 =	sld [smem:$0x3FB1];
	_ =	sdelay $0x3  }
0x33: {  	p0 =	seq.s32 s10, $0x1;
	s10 =	sld [smem:$0x3FB3];
	_ =	sdelay $0x3  }
0x34: {  	[smem:$0x3FB3] =	sst s10  }
0x35: {  	s10 =	sld [smem:$0x3FB2];
	_ =	sdelay $0x3  }
0x36: {  	p1 =	seq.s32 s10, $0x1;
	s10 =	sld [smem:$0x3FB3];
	_ =	sdelay $0x3  }
0x37: {  	[smem:$0x3FB3] =	sst s10  }
0x38: {  	s10 =	sld [smem:$0x3FB4]  }
0x39: {  	_ = 	snop;
	(pc) =	sbr.ind lr, $3  }
0x3a: {  	_ = 	snop  }
0x3b: {  	_ = 	snop  }
0x3c: {  	p2 =	seq.s32 s10, $0x1;
	s10 =	sld [smem:$0x3FB3]  }
0x3d: {  	_ =	shalt  }
0x3e: {  	_ =	shalt  }
0x3f: {  	_ =	shalt  }
0x40: {  	_ =	shalt  }
0x41: {  	_ =	shalt  }
0x42: {  	_ =	shalt  }
0x43: {  	_ =	shalt  }
0x44: {  	_ =	shalt  }
0x45: {  	_ =	shalt  }
0x46: {  	_ =	shalt  }
0x47: {  	_ =	shalt  }
0x48: {  	_ =	shalt  }
0x49: {  	_ =	shalt  }
0x4a: {  	_ =	shalt  }
0x4b: {  	_ =	shalt  }
0x4c: {  	_ =	shalt  }
0x4d: {  	_ =	shalt  }
0x4e: {  	_ =	shalt  }
0x4f: {  	_ =	shalt  }
0x50: {  	_ =	shalt  }
0x51: {  	_ =	shalt  }
0x52: {  	_ =	shalt  }
0x53: {  	_ =	shalt  }
0x54: {  	_ =	shalt  }
0x55: {  	_ =	shalt  }
0x56: {  	_ =	shalt  }
0x57: {  	_ =	shalt  }
0x58: {  	_ =	shalt  }
0x59: {  	_ =	shalt  }
0x5a: {  	_ =	shalt  }
0x5b: {  	_ =	shalt  }
0x5c: {  	_ =	shalt  }
0x5d: {  	_ =	shalt  }
0x5e: {  	_ =	shalt  }
0x5f: {  	_ =	shalt  }
0x60: {  	_ =	shalt  }
0x61: {  	_ =	shalt  }
0x62: {  	_ =	shalt  }
0x63: {  	_ =	shalt  }
0x64: {  	_ =	shalt  }
0x65: {  	_ =	shalt  }
0x66: {  	_ =	shalt  }
0x67: {  	_ =	shalt  }
0x68: {  	_ =	shalt  }
0x69: {  	_ =	shalt  }
0x6a: {  	_ =	shalt  }
0x6b: {  	_ =	shalt  }
0x6c: {  	_ =	shalt  }
0x6d: {  	_ =	shalt  }
0x6e: {  	_ =	shalt  }
0x6f: {  	_ =	shalt  }
0x70: {  	_ =	shalt  }
0x71: {  	_ =	shalt  }
0x72: {  	_ =	shalt  }
0x73: {  	_ =	shalt  }
0x74: {  	_ =	shalt  }
0x75: {  	_ =	shalt  }
0x76: {  	_ =	shalt  }
0x77: {  	_ =	shalt  }
0x78: {  	_ =	shalt  }
0x79: {  	_ =	shalt  }
0x7a: {  	_ =	shalt  }
0x7b: {  	_ =	shalt  }
0x7c: {  	_ =	shalt  }
0x7d: {  	_ =	shalt  }
0x7e: {  	_ =	shalt  }
0x7f: {  	_ =	shalt  }
0x80: {  	_ =	shalt  }
0x81: {  	_ =	shalt  }
0x82: {  	_ =	shalt  }
0x83: {  	_ =	shalt  }
0x84: {  	_ =	shalt  }
0x85: {  	_ =	shalt  }
0x86: {  	_ =	shalt  }
0x87: {  	_ =	shalt  }
.Lfunc_end0:
.L_simem_size_0:
called_computation.2_lowered:
.L_overlay_start_0:
0x88: {  	s2 =	sld [smem:$0x3FD9]  }
0x89: {  	s3 =	sld [smem:$0x3FFE];
	_ =	sdelay $0x1  }
0x8a: {  	s1 =	srdreg.scid  }
0x8b: {  	s0 =	sand.u32 $0x1, s1  }
0x8c: {  	s16 =	sshll.u32 s0, $0xA;
	s2 =	sadd.s32 s3, s2  }
0x8d: {  	s2 =	sadd.s32 s2, s16  }
0x8e: {  	[smem:$0x3FBF] =	sst s2  }
0x8f: {  	_ = 	snop  }
0x90: {  	(tm) =	ssettm $0x1  }
0x91: {  	s17 =	sld [smem:$0x3FFB];
	_ =	sdelay $0x3  }
0x92: {  	_ =	strace s17  }
0x93: {  	s2 =	sld [smem:$0x3FFC];
	_ =	sdelay $0x3  }
0x94: {  	_ =	strace s2  }
0x95: {  	s2 =	sld [smem:$0x3FFD];
	_ =	sdelay $0x3  }
0x96: {  	_ =	strace s2  }
0x97: {  	_ =	strace $0x8FFFFFFF  }
0x98: {  	s18 =	sld [smem:$0x3FDB];
	_ =	sdelay $0x1  }
0x99: {  	s19 =	simm.s32 $_scs_section_size  }
0x9a: {  	s4 =	simm.s32 $_size__tile_overlayer_lowered;
	s5 =	simm.s32 $_tile_overlayer_lowered  }
0x9b: {  	s22 =	simm.s32 $0x1BFF;
	s21 =	sshll.u32 s5, $0x1;
	s2 =	sadd.s32 s19, s18  }
0x9c: {  	s6 =	simm.s32 $0x0;
	s20 =	sshll.u32 s4, $0x1;
	s4 =	sadd.s32 s21, s2  }
0x9d: {  	[timem:s6], [sflag:s22] =	dma.local [hbm:s4], s20  }
0x9e: {  	_ =	swait.ge [sflag:s22], s20  }
0x9f: {  	s3 =	ssub.s32 $0x0, s20;
	[sflag:s22] =	ssyncset.done $0x0  }
0xa0: {  	[sflag:s22] =	ssyncadd.s32 s3;
	_ =	sdelay $0x1  }
0xa1: {  	s23 =	simm.s32 $0x1B8B  }
0xa2: {  	_ =	swait.ge [sflag:s23], $0x1  }
0xa3: {  	[sflag:s23] =	ssyncset.done $0x0  }
0xa4: {  	s25 =	simm.s32 $0x1B8E;
	s24 =	sld [smem:$0x3FFE];
	[sflag:s23] =	ssyncadd.s32 $0xFFFFFFFF  }
0xa5: {  	s26 =	simm.s32 $execute0_lowered;
	[smem:$0x3FD2] =	sst s25  }
0xa6: {  	s4 =	sshll.u32 s26, $0x1;
	_ =	strace $0x8000004C;
	[dreg:$0x1] =	wrdreg $0xFFFFFFFF  }
0xa7: {  	s28 =	simm.s32 $_size_execute0_lowered;
	s2 =	sadd.s32 s2, s4;
	[dreg:$0x0] =	wrdreg $0x0  }
0xa8: {  	s4 =	sshll.u32 s28, $0x1;
	[dreg:$0x2] =	wrdreg s2  }
0xa9: {  	[dreg:$0x3] =	wrdreg s4  }
0xaa: {  	[dreg:$0x4] =	wrdreg $0xC0  }
0xab: {  	_ =	task [dreg:s6], $0x5FFFF  }
0xac: {  	[dreg:$0x1] =	wrdreg $0xFFFFFFFF  }
0xad: {  	[dreg:$0x0] =	wrdreg $0x60  }
0xae: {  	[dreg:$0x2] =	wrdreg s24  }
0xaf: {  	[dreg:$0x3] =	wrdreg $0x90000  }
0xb0: {  	[dreg:$0x4] =	wrdreg $0x9  }
0xb1: {  	_ =	task.clear_ibuf [dreg:s6], $0x5FFFF;
	_ =	strace $0x9000004C  }
0xb2: {  	s29 =	simm.s32 $0x9;
	_ =	strace $0x8000004E  }
0xb3: {  	_ =	swait.ge [sflag:s29], $0x1  }
0xb4: {  	[sflag:s29] =	ssyncadd.s32 $0xFFFFFFFF  }
0xb5: {  	_ =	strace $0x9000004E  }
0xb6: {  	_ =	sfence  }
0xb7: {  	s30 =	sld [smem:$0x0];
	_ =	sdelay $0x2  }
0xb8: {  	s31 =	sshll.u32 s1, $0xD;
	s1 =	sshrl.u32 s1, $0x2  }
0xb9: {  	s3 =	sand.u32 $0x4000, s31;
	s1 =	sadd.s32 s1, s30  }
0xba: {  	s0 =	sor.u32 s3, s0;
	s1 =	sshll.u32 s1, $0x11  }
0xbb: {  	s0 =	sor.u32 s1, s0  }
0xbc: {  	s0 =	sadd.s32 $0x8F2B, s0  }
0xbd: {  	[sflag:s0] =	ssyncadd.remote.s32 $0x1  }
0xbe: {  	_ =	sfence.sel $0xFFFF  }
0xbf: {  	[dreg:$0x0] =	wrdreg $0xFFFFFFFF;
	(pc) =	sbr.abs _section_cstart, $3  }
0xc0: {  	[dreg:$0x1] =	wrdreg $0xFFFFFFFF  }
0xc1: {  	_ =	task.clear_ibuf [dreg:s6], $0x2FFFF;
	_ =	strace $0x9FFFFFFF  }
0xc2: {  	(tm) =	ssettm $0x7FFFFFFF  }
0xc3: {  	_ =	shalt  }
tec
execute0_lowered:
.L_overlay_start_1:
0x0: {  	(tag) =	ssettag $0x1  }
0x1: {  	s0 =	srdreg.scid;
	s5 =	rddreg [dreg:$0x0]  }
0x2: {  	s1 =	rddreg [dreg:$0x1];
	s9 =	stileid.u32  }
0x3: {  	s2 =	simm.s32 $0x0;
	s12 =	simm.s32 $0x80;
	s13 =	simm.s32 $0x5000  }
0x4: {  	s14 =	simm.s32 $0x0;
	s6 =	sand.u32 $0x1, s0;
	s0 =	rddreg [dreg:$0x2]  }
0x5: {  	[smem:$0x7FF] =	sst s2;
	s4 =	sadd.s32 $0x67C00, s5;
	s3 =	sshll.u32 s6, $0x4  }
0x6: {  	p0 =	sne.s32 s9, $0x0;
	s8 =	smul.u32 $0x28000, s6;
	s3 =	sor.u32 s9, s3  }
0x7: {  	_ =	strace $0x8000004D;
	s6 =	ssub.s32 $0x2, s6;
	s7 =	smul.u32 $0x500, s3  }
0x8: {  	s11 =	sshrl.u32 @!p0 s1, $0x3;
	s31 =	sshrl.u32 s6, $0x1;
	s9 =	simm.s32 $0x1  }
0x9: {  	s3 =	sadd.s32 $0x35C00, s5;
	s8 =	sadd.s32 s8, s5;
	s7 =	sadd.s32 s7, s5  }
0xa: {  	s10 =	ssub.s32 s6, s31;
	s5 =	sadd.s32 $0x5DC00, s7;
	s6 =	sadd.s32 $0x3C00, s7  }
0xb: {  	s7 =	sadd.s32 $0x8FC00, s8;
	s8 =	smax.u32 s10, $0x1;
	s10 =	simm.s32 $0x2800  }
.LBB2_1:
0xc: {  	[tilespmem:s2], [sflag:$0x1] =	stream.linear.gather [hbm4b:s5+s2], $0x2780, $0x38;
	[tilespmem:$0x1D000] =	vst v63  }
0xd: {  	_ =	swait.ge [sflag:s9], $0x2780  }
0xe: {  	[sflag:s9] =	ssyncset.done $0x0  }
0xf: {  	[sflag:s9] =	ssyncadd.s32 $0xFFFFD880  }
0x10: {  	[tilespmem:s10], [sflag:$0x1] =	stream.linear.gather [hbm4b:s6+s2], $0x2780, $0x38;
	[tilespmem:$0x1D000] =	vst v63  }
0x11: {  	_ =	swait.ge [sflag:s9], $0x2780  }
0x12: {  	[sflag:s9] =	ssyncset.done $0x0  }
0x13: {  	s15 =	simm.s32 @!p0 $0x1C01;
	[sflag:s9] =	ssyncadd.s32 $0xFFFFD880  }
0x14: {  	[spmem:s11], [sflag:s15] =	dma.local @!p0 [hbm:s4], $0x28000  }
0x15: {  	s15 =	simm.s32 @!p0 $0x1  }
0x16: {  	_ =	swait.ge @!p0 [sflag:s15], $0x28000  }
0x17: {  	[sflag:s15] =	ssyncset.done @!p0 $0x0  }
0x18: {  	[sflag:s15] =	ssyncadd.s32 @!p0 $0xFFFD8000  }
0x19: {  	s30 =	simm.s32 $0x0;
	[bflag:$0x0] =	sbarrier.arrive $0xFFFF  }
0x1a: {  	[tilespmem:s13], [sflag:$0x1] =	stream.indirect.gather [hbm4b:s3+s12], $0x80, s30, s12, $0xb8;
	[tilespmem:$0x1D000] =	vst v63  }
0x1b: {  	_ =	swait.ge [sflag:s9], $0x4000  }
0x1c: {  	[sflag:s9] =	ssyncset.done $0x0  }
0x1d: {  	s31 =	simm.s32 $0x2800;
	[sflag:s9] =	ssyncadd.s32 $0xFFFFC000  }
0x1e: {  	[spmem:s1] =	stream.indirect.scatter.add.f32 [tilespmem:s13], [sflag:$0x1], $0x80, s31, s12, $0xb8;
	[tilespmem:$0x1D000] =	vst v63  }
0x1f: {  	_ =	swait.ge [sflag:s9], $0x4000  }
0x20: {  	s16 =	simm.s32 $0x400;
	s15 =	simm.s32 $0x200;
	[sflag:s9] =	ssyncset.done $0x0  }
.LBB2_2:
0x21: {  	s17 =	sshra.s32 s15, $0x2  }
0x22: {  	[sflag:s9] =	ssyncadd.s32 $0xFFFFC000;
	s15 =	smov.u32 s16;
	s18 =	sadd.s32 $0x200, s16  }
0x23: {  	[tilespmem:s13], [sflag:$0x1] =	stream.indirect.gather [hbm4b:s3+s12], $0x80, s17, s12, $0xb8;
	[tilespmem:$0x1D000] =	vst v63  }
0x24: {  	p1 =	sne.s32 s16, $0x9C00;
	_ =	swait.ge [sflag:s9], $0x4000  }
.Ltmp0:
0x25: {  	[sflag:s9] =	ssyncset.done $0x0;
	(pc) =	sbr.rel @p1 .LBB2_2-.Ltmp0, $4  }
0x26: {  	s16 =	sadd.s32 $0x2800, s17;
	[sflag:s9] =	ssyncadd.s32 $0xFFFFC000  }
0x27: {  	[spmem:s1] =	stream.indirect.scatter.add.f32 [tilespmem:s13], [sflag:$0x1], $0x80, s16, s12, $0xb8;
	[tilespmem:$0x1D000] =	vst v63  }
0x28: {  	_ =	swait.ge [sflag:s9], $0x4000  }
0x29: {  	s16 =	smov.u32 s18;
	[sflag:s9] =	ssyncset.done $0x0  }
0x2a: {  	s15 =	sshra.s32 s15, $0x2;
	[sflag:s9] =	ssyncadd.s32 $0xFFFFC000  }
0x2b: {  	[tilespmem:s13], [sflag:$0x1] =	stream.indirect.gather [hbm4b:s3+s12], $0x80, s15, s12, $0xb8;
	[tilespmem:$0x1D000] =	vst v63  }
0x2c: {  	_ =	swait.ge [sflag:s9], $0x4000  }
0x2d: {  	[sflag:s9] =	ssyncset.done $0x0  }
0x2e: {  	s15 =	sadd.s32 $0x2800, s15;
	[sflag:s9] =	ssyncadd.s32 $0xFFFFC000  }
0x2f: {  	[spmem:s1] =	stream.indirect.scatter.add.f32 [tilespmem:s13], [sflag:$0x1], $0x80, s15, s12, $0xb8;
	[tilespmem:$0x1D000] =	vst v63  }
0x30: {  	_ =	swait.ge [sflag:s9], $0x4000  }
0x31: {  	[sflag:s9] =	ssyncset.done $0x0  }
0x32: {  	s14 =	sadd.s32 $0x1, s14;
	[sflag:s9] =	ssyncadd.s32 $0xFFFFC000  }
0x33: {  	p1 =	sne.s32 s14, s8;
	s15 =	simm.s32 @!p0 $0x1C01;
	[bflag:$0x0] =	sbarrier.arrive $0xFFFF  }
0x34: {  	[hbm:s7], [sflag:s15] =	dma.local @!p0 [spmem:s11], $0x28000  }
.Ltmp1:
0x35: {  	_ = 	snop;
	(pc) =	sbr.rel @p1 .LBB2_1-.Ltmp1, $4  }
0x36: {  	s15 =	simm.s32 @!p0 $0x1  }
0x37: {  	_ =	swait.ge @!p0 [sflag:s15], $0x28000  }
0x38: {  	[sflag:s15] =	ssyncset.done @!p0 $0x0  }
0x39: {  	[sflag:s15] =	ssyncadd.s32 @!p0 $0xFFFD8000  }
0x3a: {  	_ =	sfence.sel $0x180000  }
0x3b: {  	[bflag:$0x0] =	sbarrier.arrive $0xFFFF  }
0x3c: {  	_ =	strace $0x9000004D  }
0x3d: {  	s0 =	sadd.s32 @!p0 $0x100000, s0;
	[bflag:$0x2] =	sbarrier.arrive $0xFFFF  }
0x3e: {  	[sflag:s0] =	ssyncadd.tile.s32 @!p0 $0x1;
	_ =	shalt  }
.Lfunc_end2:
_tile_overlayer_lowered:
.L_overlay_start_2:
0x3f: {  	(tag) =	ssettag $0x2  }
0x40: {  	s0 =	rddreg [dreg:$0x0];
	s2 =	stileid.u32  }
0x41: {  	s1 =	rddreg [dreg:$0x1];
	p0 =	sne.s32 s2, $0x0  }
0x42: {  	s3 =	rddreg [dreg:$0x2];
	[bflag:$0x3] =	sbarrier.arrive $0xFFFF;
	s2 =	simm.s32 @!p0 $0x1C01  }
0x43: {  	[timem:s3], [sflag:s2] =	dma.local @!p0 [hbm:s0], s1  }
0x44: {  	s0 =	simm.s32 @!p0 $0x1  }
0x45: {  	_ =	swait.ge @!p0 [sflag:s0], s1  }
0x46: {  	s1 =	ssub.s32 @!p0 $0x0, s1;
	[sflag:s0] =	ssyncset.done @!p0 $0x0  }
0x47: {  	[sflag:s0] =	ssyncadd.s32 @!p0 s1  }
0x48: {  	[bflag:$0x3] =	sbarrier.arrive $0xFFFF  }
0x49: {  	_ =	shalt  }

</sc_bundles>
